<compile_context>
chip_gen: v7x
topology: tpu7x:2x2x1
jax: 0.10.2.dev20260603
libtpu: 0.0.44.dev20260713+nightly
codegen_flags: <defaults>
</compile_context>

<pallas_src>
import functools

import jax
import jax.numpy as jnp
from jax import lax
from jax.experimental import pallas as pl
from jax.experimental.pallas import tpu as pltpu
from jax.experimental.pallas import tpu_sc as plsc

N = 10000
E = 320000
D = 128
OUT = 128
R = 8
NR = N * R

NC = 2
NS = 16
NW = NC * NS
EPW = E // NW
K = 80
NCHUNK = EPW // K
SEG_PW = NR // NS
DRAIN = 200
NDRAIN = N // DRAIN

_mesh = plsc.VectorSubcoreMesh(core_axis_name="c", subcore_axis_name="s")


@functools.partial(
    pl.kernel,
    mesh=_mesh,
    out_type=jax.ShapeDtypeStruct((NC * NR,), jnp.float32),
    scratch_types=[
        pltpu.VMEM((K,), jnp.int32),
        pltpu.VMEM((K,), jnp.int32),
        pltpu.VMEM((K,), jnp.int32),
        pltpu.VMEM((K,), jnp.float32),
        pltpu.VMEM((SEG_PW,), jnp.float32),
        pltpu.VMEM_SHARED((NR,), jnp.float32),
    ],
)
def _count_kernel(dst_hbm, et_hbm, cnt_hbm, dstb, etb, segb, onesb, stage,
                  cnt_sh):
    c = lax.axis_index("c")
    s = lax.axis_index("s")
    w = s * NC + c

    ones16 = jnp.full((16,), 1.0, jnp.float32)
    zeros16 = jnp.zeros((16,), jnp.float32)
    for g in range(K // 16):
        onesb[pl.ds(g * 16, 16)] = ones16

    def _z(i, _):
        stage[pl.ds(i * 16, 16)] = zeros16
        return 0
    lax.fori_loop(0, SEG_PW // 16, _z, 0)
    pltpu.sync_copy(stage, cnt_sh.at[pl.ds(s * SEG_PW, SEG_PW)])
    plsc.subcore_barrier()

    def _chunk(i, _):
        base = w * EPW + i * K
        pltpu.sync_copy(dst_hbm.at[pl.ds(base, K)], dstb)
        pltpu.sync_copy(et_hbm.at[pl.ds(base, K)], etb)
        for g in range(K // 16):
            d16 = dstb[pl.ds(g * 16, 16)]
            e16 = etb[pl.ds(g * 16, 16)]
            segb[pl.ds(g * 16, 16)] = d16 * R + e16
        pltpu.sync_copy(onesb, cnt_sh.at[segb], add=True)
        return 0
    lax.fori_loop(0, NCHUNK, _chunk, 0)

    plsc.subcore_barrier()
    pltpu.sync_copy(cnt_sh.at[pl.ds(s * SEG_PW, SEG_PW)], stage)
    pltpu.sync_copy(stage, cnt_hbm.at[pl.ds(c * NR + s * SEG_PW, SEG_PW)])


@functools.partial(
    pl.kernel,
    mesh=_mesh,
    out_type=jax.ShapeDtypeStruct((NC, N, OUT), jnp.float32),
    scratch_types=[
        pltpu.VMEM((K,), jnp.int32),
        pltpu.VMEM((K,), jnp.int32),
        pltpu.VMEM((K,), jnp.int32),
        pltpu.VMEM((K,), jnp.int32),
        pltpu.VMEM((K,), jnp.int32),
        pltpu.VMEM((K + 16,), jnp.float32),
        pltpu.VMEM((K, OUT), jnp.float32),
        pltpu.VMEM((DRAIN, OUT), jnp.float32),
        pltpu.SemaphoreType.DMA,
        pltpu.SemaphoreType.DMA,
        pltpu.VMEM_SHARED((N, OUT), jnp.float32),
    ],
)
def _scatter_kernel(src_hbm, dst_hbm, et_hbm, y_hbm, inv_hbm, part_hbm,
                    srcb, dstb, etb, gidxb, segb, inveb, rows, zst, sem,
                    sem2, acc_sh):
    c = lax.axis_index("c")
    s = lax.axis_index("s")
    w = s * NC + c

    zeros16 = jnp.zeros((16,), jnp.float32)

    def _z(i, _):
        for k in range(OUT // 16):
            zst[i, pl.ds(k * 16, 16)] = zeros16
        return 0
    lax.fori_loop(0, DRAIN, _z, 0)
    for j in range((NDRAIN + NS - 1) // NS):
        idx = s + j * NS

        @pl.when(idx < NDRAIN)
        def _():
            pltpu.sync_copy(zst, acc_sh.at[pl.ds(idx * DRAIN, DRAIN), :])
    plsc.subcore_barrier()

    def _chunk(i, _):
        base = w * EPW + i * K
        pltpu.sync_copy(src_hbm.at[pl.ds(base, K)], srcb)
        pltpu.sync_copy(dst_hbm.at[pl.ds(base, K)], dstb)
        pltpu.sync_copy(et_hbm.at[pl.ds(base, K)], etb)
        for g in range(K // 16):
            s16 = srcb[pl.ds(g * 16, 16)]
            d16 = dstb[pl.ds(g * 16, 16)]
            e16 = etb[pl.ds(g * 16, 16)]
            gidxb[pl.ds(g * 16, 16)] = s16 * R + e16
            segb[pl.ds(g * 16, 16)] = d16 * R + e16
        cp1 = pltpu.async_copy(y_hbm.at[gidxb], rows, sem)
        cp2 = pltpu.async_copy(inv_hbm.at[segb], inveb.at[pl.ds(0, K)], sem2)
        cp1.wait()
        cp2.wait()

        def _scale(j, _):
            v = inveb[pl.ds(j, 16)][0]
            for k in range(OUT // 16):
                rows[j, pl.ds(k * 16, 16)] = rows[j, pl.ds(k * 16, 16)] * v
            return 0
        lax.fori_loop(0, K, _scale, 0)

        pltpu.sync_copy(rows, acc_sh.at[dstb], add=True)
        return 0
    lax.fori_loop(0, NCHUNK, _chunk, 0)

    plsc.subcore_barrier()
    for j in range((NDRAIN + NS - 1) // NS):
        idx = s + j * NS

        @pl.when(idx < NDRAIN)
        def _():
            r0 = idx * DRAIN
            pltpu.sync_copy(acc_sh.at[pl.ds(r0, DRAIN), :], zst)
            pltpu.sync_copy(zst, part_hbm.at[c, pl.ds(r0, DRAIN), :])


def _y_body(x_ref, w_ref, o_ref):
    o_ref[...] = jnp.dot(x_ref[...], w_ref[...],
                         preferred_element_type=jnp.float32)


def _inv_body(cnt_ref, o_ref):
    total = cnt_ref[0] + cnt_ref[1]
    o_ref[...] = 1.0 / jnp.maximum(total, 1.0)


def _final_body(p_ref, x_ref, r_ref, b_ref, o_ref):
    o_ref[...] = (p_ref[0] + p_ref[1]
                  + jnp.dot(x_ref[...], r_ref[...],
                            preferred_element_type=jnp.float32)
                  + b_ref[...])


_BN = 1000


def kernel(x, edge_index, edge_type, weight, root, bias):
    src = edge_index[0]
    dst = edge_index[1]
    et = edge_type

    wf = weight.transpose(1, 0, 2).reshape(D, R * OUT)
    y = pl.pallas_call(
        _y_body,
        grid=(N // _BN,),
        in_specs=[
            pl.BlockSpec((_BN, D), lambda i: (i, 0)),
            pl.BlockSpec((D, R * OUT), lambda i: (0, 0)),
        ],
        out_specs=pl.BlockSpec((_BN, R * OUT), lambda i: (i, 0)),
        out_shape=jax.ShapeDtypeStruct((N, R * OUT), jnp.float32),
    )(x, wf)
    y = y.reshape(NR, OUT)

    cnt_parts = _count_kernel(dst, et)
    inv = pl.pallas_call(
        _inv_body,
        in_specs=[pl.BlockSpec((NC, NR // 128, 128), lambda: (0, 0, 0))],
        out_specs=pl.BlockSpec((NR // 128, 128), lambda: (0, 0)),
        out_shape=jax.ShapeDtypeStruct((NR // 128, 128), jnp.float32),
    )(cnt_parts.reshape(NC, NR // 128, 128))
    inv = inv.reshape(NR)

    parts = _scatter_kernel(src, dst, et, y, inv)

    out = pl.pallas_call(
        _final_body,
        grid=(N // _BN,),
        in_specs=[
            pl.BlockSpec((NC, _BN, OUT), lambda i: (0, i, 0)),
            pl.BlockSpec((_BN, D), lambda i: (i, 0)),
            pl.BlockSpec((D, OUT), lambda i: (0, 0)),
            pl.BlockSpec((1, OUT), lambda i: (0, 0)),
        ],
        out_specs=pl.BlockSpec((_BN, OUT), lambda i: (i, 0)),
        out_shape=jax.ShapeDtypeStruct((N, OUT), jnp.float32),
    )(parts, x, root, bias.reshape(1, OUT))
    return out

# --- scband reference (transcript-rebuilt; emitter-appended) ---
"""Pipeline reference for scband-model-op-35699768164968 (READ-ONLY COPY).

The authoritative reference and input builder live on the scoring server;
editing this copy changes nothing except your own understanding.
"""

import jax, jax.numpy as jnp
import numpy as np

N = 10000
E = 320000
D = 128
OUT = 128
R = 8


def setup_inputs(seed: int = 0) -> dict:
    key = jax.random.key(seed)
    k1, k2, k3, k4, k5 = jax.random.split(key, 5)
    x = jax.random.normal(k1, (N, D), dtype=jnp.float32)
    edge_index = jax.random.randint(k2, (2, E), 0, N, dtype=jnp.int32)
    edge_type = jax.random.randint(k3, (E,), 0, R, dtype=jnp.int32)
    # Glorot-style init for parameters
    w_scale = np.sqrt(2.0 / (D + OUT)).astype(np.float32)
    weight = jax.random.normal(k4, (R, D, OUT), dtype=jnp.float32) * w_scale
    root = jax.random.normal(k5, (D, OUT), dtype=jnp.float32) * w_scale
    bias = jnp.zeros((OUT,), dtype=jnp.float32)
    return {"x": x, "edge_index": edge_index, "edge_type": edge_type,
            "weight": weight, "root": root, "bias": bias}


def reference(x, edge_index, edge_type, weight, root, bias):
    # RGCN: out_i = root^T x_i + sum_r (1/|N_r(i)|) sum_{j in N_r(i)} W_r^T x_j + b
    # Mean-aggregate source features per (dst node, relation), then transform.
    # (Linear transform commutes with mean, so this is mathematically identical
    #  to the per-relation transform-then-aggregate in RGCNConvTP.)
    src = edge_index[0]
    dst = edge_index[1]
    seg = dst * R + edge_type  # combined (node, relation) segment id
    msgs = jnp.take(x, src, axis=0)  # gather source node features [E, D]
    agg = jax.ops.segment_sum(msgs, seg, num_segments=N * R)  # [N*R, D]
    cnt = jax.ops.segment_sum(jnp.ones((E,), dtype=x.dtype), seg, num_segments=N * R)
    mean = agg / jnp.maximum(cnt, 1.0)[:, None]
    mean = mean.reshape(N, R, D)
    out = jnp.einsum('nrd,rdo->no', mean, weight)  # sum over relations of W_r @ mean_r
    out = out + x @ root + bias
    return out

if __name__ == "__main__":
    import jax
    _d = setup_inputs()
    print(jax.jit(kernel)(*tuple(_d.values())))

</pallas_src>

<mosaic_0001>
#map = affine_map<(d0, d1) -> (0)>
#map1 = affine_map<(d0, d1) -> (0, 0)>
#map2 = affine_map<(d0, d1) -> (0, 0, 0)>
module attributes {stable_mosaic.version = 14 : i64} {
  func.func @_scatter_kernel(%arg0: i32, %arg1: i32, %arg2: memref<320000xi32, #tpu.memory_space<hbm>>, %arg3: memref<320000xi32, #tpu.memory_space<hbm>>, %arg4: memref<320000xi32, #tpu.memory_space<hbm>>, %arg5: memref<80000x128xf32, #tpu.memory_space<hbm>>, %arg6: memref<80000xf32, #tpu.memory_space<hbm>>, %arg7: memref<2x10000x128xf32, #tpu.memory_space<hbm>>, %arg8: memref<80xi32, #tpu.memory_space<vmem>>, %arg9: memref<80xi32, #tpu.memory_space<vmem>>, %arg10: memref<80xi32, #tpu.memory_space<vmem>>, %arg11: memref<80xi32, #tpu.memory_space<vmem>>, %arg12: memref<80xi32, #tpu.memory_space<vmem>>, %arg13: memref<96xf32, #tpu.memory_space<vmem>>, %arg14: memref<80x128xf32, #tpu.memory_space<vmem>>, %arg15: memref<200x128xf32, #tpu.memory_space<vmem>>, %arg16: memref<!tpu.dma_semaphore, #tpu.memory_space<semaphore_mem>>, %arg17: memref<!tpu.dma_semaphore, #tpu.memory_space<semaphore_mem>>, %arg18: memref<10000x128xf32, #tpu.memory_space<vmem_shared>>) attributes {dimension_semantics = [#tpu.dimension_semantics<core_parallel>, #tpu.dimension_semantics<subcore_parallel>], iteration_bounds = array<i64: 2, 16>, scalar_prefetch = 0 : i64, scratch_operands = 11 : i64, tpu.core_type = #tpu.core_type<sc_vector_subcore>, window_params = [{transform_indices = #map}, {transform_indices = #map}, {transform_indices = #map}, {transform_indices = #map1}, {transform_indices = #map}, {transform_indices = #map2}]} {
    %mul3A = arith.constant 2 : i32
    %mul3A_0 = arith.muli %arg1, %mul3A : i32
    %add3A = arith.addi %mul3A_0, %arg0 : i32
    %broadcast_in_dim3A = arith.constant 0.000000e+00 : f32
    %broadcast_in_dim3A_1 = vector.broadcast %broadcast_in_dim3A : f32 to vector<16xf32>
    %scan3A = arith.constant 0 : i32
    %scan3A_2 = arith.constant 0 : i32
    %scan3A_3 = arith.constant 200 : i32
    %scan3A_4 = arith.addi %scan3A_2, %scan3A_3 : i32
    %scan3A_5 = arith.constant 1 : i32
    %scan3A_6 = scf.for %scan3A_69 = %scan3A_2 to %scan3A_4 step %scan3A_5 iter_args(%scan3A_70 = %scan3A) -> (i32)  : i32 {
      %swap3A = arith.index_cast %scan3A_69 : i32 to index
      %swap3A_71 = arith.constant 0 : index
      %swap3A_72 = tpu.vector_load %arg15[%swap3A, %swap3A_71] {strides = array<i32>} : memref<200x128xf32, #tpu.memory_space<vmem>>, vector<1x16xf32>,
      %swap3A_73 = vector.shape_cast %swap3A_72 : vector<1x16xf32> to vector<16xf32>
      %swap3A_74 = vector.shape_cast %broadcast_in_dim3A_1 : vector<16xf32> to vector<1x16xf32>
      tpu.vector_store %arg15[%swap3A, %swap3A_71], %swap3A_74 {strides = array<i32>} : memref<200x128xf32, #tpu.memory_space<vmem>>, vector<1x16xf32>,
      %swap3A_75 = arith.index_cast %scan3A_69 : i32 to index
      %swap3A_76 = arith.constant 16 : index
      %swap3A_77 = tpu.vector_load %arg15[%swap3A_75, %swap3A_76] {strides = array<i32>} : memref<200x128xf32, #tpu.memory_space<vmem>>, vector<1x16xf32>,
      %swap3A_78 = vector.shape_cast %swap3A_77 : vector<1x16xf32> to vector<16xf32>
      %swap3A_79 = vector.shape_cast %broadcast_in_dim3A_1 : vector<16xf32> to vector<1x16xf32>
      tpu.vector_store %arg15[%swap3A_75, %swap3A_76], %swap3A_79 {strides = array<i32>} : memref<200x128xf32, #tpu.memory_space<vmem>>, vector<1x16xf32>,
      %swap3A_80 = arith.index_cast %scan3A_69 : i32 to index
      %swap3A_81 = arith.constant 32 : index
      %swap3A_82 = tpu.vector_load %arg15[%swap3A_80, %swap3A_81] {strides = array<i32>} : memref<200x128xf32, #tpu.memory_space<vmem>>, vector<1x16xf32>,
      %swap3A_83 = vector.shape_cast %swap3A_82 : vector<1x16xf32> to vector<16xf32>
      %swap3A_84 = vector.shape_cast %broadcast_in_dim3A_1 : vector<16xf32> to vector<1x16xf32>
      tpu.vector_store %arg15[%swap3A_80, %swap3A_81], %swap3A_84 {strides = array<i32>} : memref<200x128xf32, #tpu.memory_space<vmem>>, vector<1x16xf32>,
      %swap3A_85 = arith.index_cast %scan3A_69 : i32 to index
      %swap3A_86 = arith.constant 48 : index
      %swap3A_87 = tpu.vector_load %arg15[%swap3A_85, %swap3A_86] {strides = array<i32>} : memref<200x128xf32, #tpu.memory_space<vmem>>, vector<1x16xf32>,
      %swap3A_88 = vector.shape_cast %swap3A_87 : vector<1x16xf32> to vector<16xf32>
      %swap3A_89 = vector.shape_cast %broadcast_in_dim3A_1 : vector<16xf32> to vector<1x16xf32>
      tpu.vector_store %arg15[%swap3A_85, %swap3A_86], %swap3A_89 {strides = array<i32>} : memref<200x128xf32, #tpu.memory_space<vmem>>, vector<1x16xf32>,
      %swap3A_90 = arith.index_cast %scan3A_69 : i32 to index
      %swap3A_91 = arith.constant 64 : index
      %swap3A_92 = tpu.vector_load %arg15[%swap3A_90, %swap3A_91] {strides = array<i32>} : memref<200x128xf32, #tpu.memory_space<vmem>>, vector<1x16xf32>,
      %swap3A_93 = vector.shape_cast %swap3A_92 : vector<1x16xf32> to vector<16xf32>
      %swap3A_94 = vector.shape_cast %broadcast_in_dim3A_1 : vector<16xf32> to vector<1x16xf32>
      tpu.vector_store %arg15[%swap3A_90, %swap3A_91], %swap3A_94 {strides = array<i32>} : memref<200x128xf32, #tpu.memory_space<vmem>>, vector<1x16xf32>,
      %swap3A_95 = arith.index_cast %scan3A_69 : i32 to index
      %swap3A_96 = arith.constant 80 : index
      %swap3A_97 = tpu.vector_load %arg15[%swap3A_95, %swap3A_96] {strides = array<i32>} : memref<200x128xf32, #tpu.memory_space<vmem>>, vector<1x16xf32>,
      %swap3A_98 = vector.shape_cast %swap3A_97 : vector<1x16xf32> to vector<16xf32>
      %swap3A_99 = vector.shape_cast %broadcast_in_dim3A_1 : vector<16xf32> to vector<1x16xf32>
      tpu.vector_store %arg15[%swap3A_95, %swap3A_96], %swap3A_99 {strides = array<i32>} : memref<200x128xf32, #tpu.memory_space<vmem>>, vector<1x16xf32>,
      %swap3A_100 = arith.index_cast %scan3A_69 : i32 to index
      %swap3A_101 = arith.constant 96 : index
      %swap3A_102 = tpu.vector_load %arg15[%swap3A_100, %swap3A_101] {strides = array<i32>} : memref<200x128xf32, #tpu.memory_space<vmem>>, vector<1x16xf32>,
      %swap3A_103 = vector.shape_cast %swap3A_102 : vector<1x16xf32> to vector<16xf32>
      %swap3A_104 = vector.shape_cast %broadcast_in_dim3A_1 : vector<16xf32> to vector<1x16xf32>
      tpu.vector_store %arg15[%swap3A_100, %swap3A_101], %swap3A_104 {strides = array<i32>} : memref<200x128xf32, #tpu.memory_space<vmem>>, vector<1x16xf32>,
      %swap3A_105 = arith.index_cast %scan3A_69 : i32 to index
      %swap3A_106 = arith.constant 112 : index
      %swap3A_107 = tpu.vector_load %arg15[%swap3A_105, %swap3A_106] {strides = array<i32>} : memref<200x128xf32, #tpu.memory_space<vmem>>, vector<1x16xf32>,
      %swap3A_108 = vector.shape_cast %swap3A_107 : vector<1x16xf32> to vector<16xf32>
      %swap3A_109 = vector.shape_cast %broadcast_in_dim3A_1 : vector<16xf32> to vector<1x16xf32>
      tpu.vector_store %arg15[%swap3A_105, %swap3A_106], %swap3A_109 {strides = array<i32>} : memref<200x128xf32, #tpu.memory_space<vmem>>, vector<1x16xf32>,
      %scan3A_110 = arith.constant 0 : i32
      scf.yield %scan3A_110 : i32
    }
    %scan3A_7 = arith.constant 200 : i32
    %add3A_8 = arith.constant 0 : i32
    %add3A_9 = arith.addi %arg1, %add3A_8 : i32
    %lt3A = arith.constant 50 : i32
    %lt3A_10 = arith.cmpi slt, %add3A_9, %lt3A : i32
    %convert_element_type3A = arith.extui %lt3A_10 : i1 to i32
    %cond3A = arith.constant 0 : i32
    %cond3A_11 = arith.cmpi ne, %convert_element_type3A, %cond3A : i32
    scf.if %cond3A_11 {
      %mul3A_69 = arith.constant 200 : i32
      %mul3A_70 = arith.muli %add3A_9, %mul3A_69 : i32
      "tpu.region"() ({
        %run_scoped3A = tpu.sem_alloc : memref<!tpu.dma_semaphore, #tpu.memory_space<semaphore_mem>>
        %dma_start3A = arith.constant 0 : i32
        %dma_start3A_71 = tpu.memref_slice %arg18[%mul3A_70, %dma_start3A] : memref<10000x128xf32, #tpu.memory_space<vmem_shared>> -> memref<200x128xf32, #tpu.memory_space<vmem_shared>>
        %dma_start3A_72 = arith.constant 0 : i32
        %dma_start3A_73 = tpu.memref_slice %arg18[%mul3A_70, %dma_start3A_72] : memref<10000x128xf32, #tpu.memory_space<vmem_shared>> -> memref<200x128xf32, #tpu.memory_space<vmem_shared>>
        tpu.enqueue_dma source(%arg15 : memref<200x128xf32, #tpu.memory_space<vmem>>) target(%dma_start3A_73 : memref<200x128xf32, #tpu.memory_space<vmem_shared>>) target_semaphore(%run_scoped3A : memref<!tpu.dma_semaphore, #tpu.memory_space<semaphore_mem>>)
        %dma_wait3A = arith.constant 0 : i32
        %dma_wait3A_74 = tpu.memref_slice %arg18[%mul3A_70, %dma_wait3A] : memref<10000x128xf32, #tpu.memory_space<vmem_shared>> -> memref<200x128xf32, #tpu.memory_space<vmem_shared>>
        %dma_wait3A_75 = arith.constant 0 : i32
        %dma_wait3A_76 = tpu.memref_slice %arg18[%mul3A_70, %dma_wait3A_75] : memref<10000x128xf32, #tpu.memory_space<vmem_shared>> -> memref<200x128xf32, #tpu.memory_space<vmem_shared>>
        tpu.wait_dma2 semaphore(%run_scoped3A : memref<!tpu.dma_semaphore, #tpu.memory_space<semaphore_mem>>) src(%arg15 : memref<200x128xf32, #tpu.memory_space<vmem>>) dst(%dma_wait3A_76 : memref<200x128xf32, #tpu.memory_space<vmem_shared>>)
        tpu.yield
      }) : () -> ()
    } else {
    }
    %add3A_12 = arith.constant 16 : i32
    %add3A_13 = arith.addi %arg1, %add3A_12 : i32
    %lt3A_14 = arith.constant 50 : i32
    %lt3A_15 = arith.cmpi slt, %add3A_13, %lt3A_14 : i32
    %convert_element_type3A_16 = arith.extui %lt3A_15 : i1 to i32
    %cond3A_17 = arith.constant 0 : i32
    %cond3A_18 = arith.cmpi ne, %convert_element_type3A_16, %cond3A_17 : i32
    scf.if %cond3A_18 {
      %mul3A_69 = arith.constant 200 : i32
      %mul3A_70 = arith.muli %add3A_13, %mul3A_69 : i32
      "tpu.region"() ({
        %run_scoped3A = tpu.sem_alloc : memref<!tpu.dma_semaphore, #tpu.memory_space<semaphore_mem>>
        %dma_start3A = arith.constant 0 : i32
        %dma_start3A_71 = tpu.memref_slice %arg18[%mul3A_70, %dma_start3A] : memref<10000x128xf32, #tpu.memory_space<vmem_shared>> -> memref<200x128xf32, #tpu.memory_space<vmem_shared>>
        %dma_start3A_72 = arith.constant 0 : i32
        %dma_start3A_73 = tpu.memref_slice %arg18[%mul3A_70, %dma_start3A_72] : memref<10000x128xf32, #tpu.memory_space<vmem_shared>> -> memref<200x128xf32, #tpu.memory_space<vmem_shared>>
        tpu.enqueue_dma source(%arg15 : memref<200x128xf32, #tpu.memory_space<vmem>>) target(%dma_start3A_73 : memref<200x128xf32, #tpu.memory_space<vmem_shared>>) target_semaphore(%run_scoped3A : memref<!tpu.dma_semaphore, #tpu.memory_space<semaphore_mem>>)
        %dma_wait3A = arith.constant 0 : i32
        %dma_wait3A_74 = tpu.memref_slice %arg18[%mul3A_70, %dma_wait3A] : memref<10000x128xf32, #tpu.memory_space<vmem_shared>> -> memref<200x128xf32, #tpu.memory_space<vmem_shared>>
        %dma_wait3A_75 = arith.constant 0 : i32
        %dma_wait3A_76 = tpu.memref_slice %arg18[%mul3A_70, %dma_wait3A_75] : memref<10000x128xf32, #tpu.memory_space<vmem_shared>> -> memref<200x128xf32, #tpu.memory_space<vmem_shared>>
        tpu.wait_dma2 semaphore(%run_scoped3A : memref<!tpu.dma_semaphore, #tpu.memory_space<semaphore_mem>>) src(%arg15 : memref<200x128xf32, #tpu.memory_space<vmem>>) dst(%dma_wait3A_76 : memref<200x128xf32, #tpu.memory_space<vmem_shared>>)
        tpu.yield
      }) : () -> ()
    } else {
    }
    %add3A_19 = arith.constant 32 : i32
    %add3A_20 = arith.addi %arg1, %add3A_19 : i32
    %lt3A_21 = arith.constant 50 : i32
    %lt3A_22 = arith.cmpi slt, %add3A_20, %lt3A_21 : i32
    %convert_element_type3A_23 = arith.extui %lt3A_22 : i1 to i32
    %cond3A_24 = arith.constant 0 : i32
    %cond3A_25 = arith.cmpi ne, %convert_element_type3A_23, %cond3A_24 : i32
    scf.if %cond3A_25 {
      %mul3A_69 = arith.constant 200 : i32
      %mul3A_70 = arith.muli %add3A_20, %mul3A_69 : i32
      "tpu.region"() ({
        %run_scoped3A = tpu.sem_alloc : memref<!tpu.dma_semaphore, #tpu.memory_space<semaphore_mem>>
        %dma_start3A = arith.constant 0 : i32
        %dma_start3A_71 = tpu.memref_slice %arg18[%mul3A_70, %dma_start3A] : memref<10000x128xf32, #tpu.memory_space<vmem_shared>> -> memref<200x128xf32, #tpu.memory_space<vmem_shared>>
        %dma_start3A_72 = arith.constant 0 : i32
        %dma_start3A_73 = tpu.memref_slice %arg18[%mul3A_70, %dma_start3A_72] : memref<10000x128xf32, #tpu.memory_space<vmem_shared>> -> memref<200x128xf32, #tpu.memory_space<vmem_shared>>
        tpu.enqueue_dma source(%arg15 : memref<200x128xf32, #tpu.memory_space<vmem>>) target(%dma_start3A_73 : memref<200x128xf32, #tpu.memory_space<vmem_shared>>) target_semaphore(%run_scoped3A : memref<!tpu.dma_semaphore, #tpu.memory_space<semaphore_mem>>)
        %dma_wait3A = arith.constant 0 : i32
        %dma_wait3A_74 = tpu.memref_slice %arg18[%mul3A_70, %dma_wait3A] : memref<10000x128xf32, #tpu.memory_space<vmem_shared>> -> memref<200x128xf32, #tpu.memory_space<vmem_shared>>
        %dma_wait3A_75 = arith.constant 0 : i32
        %dma_wait3A_76 = tpu.memref_slice %arg18[%mul3A_70, %dma_wait3A_75] : memref<10000x128xf32, #tpu.memory_space<vmem_shared>> -> memref<200x128xf32, #tpu.memory_space<vmem_shared>>
        tpu.wait_dma2 semaphore(%run_scoped3A : memref<!tpu.dma_semaphore, #tpu.memory_space<semaphore_mem>>) src(%arg15 : memref<200x128xf32, #tpu.memory_space<vmem>>) dst(%dma_wait3A_76 : memref<200x128xf32, #tpu.memory_space<vmem_shared>>)
        tpu.yield
      }) : () -> ()
    } else {
    }
    %add3A_26 = arith.constant 48 : i32
    %add3A_27 = arith.addi %arg1, %add3A_26 : i32
    %lt3A_28 = arith.constant 50 : i32
    %lt3A_29 = arith.cmpi slt, %add3A_27, %lt3A_28 : i32
    %convert_element_type3A_30 = arith.extui %lt3A_29 : i1 to i32
    %cond3A_31 = arith.constant 0 : i32
    %cond3A_32 = arith.cmpi ne, %convert_element_type3A_30, %cond3A_31 : i32
    scf.if %cond3A_32 {
      %mul3A_69 = arith.constant 200 : i32
      %mul3A_70 = arith.muli %add3A_27, %mul3A_69 : i32
      "tpu.region"() ({
        %run_scoped3A = tpu.sem_alloc : memref<!tpu.dma_semaphore, #tpu.memory_space<semaphore_mem>>
        %dma_start3A = arith.constant 0 : i32
        %dma_start3A_71 = tpu.memref_slice %arg18[%mul3A_70, %dma_start3A] : memref<10000x128xf32, #tpu.memory_space<vmem_shared>> -> memref<200x128xf32, #tpu.memory_space<vmem_shared>>
        %dma_start3A_72 = arith.constant 0 : i32
        %dma_start3A_73 = tpu.memref_slice %arg18[%mul3A_70, %dma_start3A_72] : memref<10000x128xf32, #tpu.memory_space<vmem_shared>> -> memref<200x128xf32, #tpu.memory_space<vmem_shared>>
        tpu.enqueue_dma source(%arg15 : memref<200x128xf32, #tpu.memory_space<vmem>>) target(%dma_start3A_73 : memref<200x128xf32, #tpu.memory_space<vmem_shared>>) target_semaphore(%run_scoped3A : memref<!tpu.dma_semaphore, #tpu.memory_space<semaphore_mem>>)
        %dma_wait3A = arith.constant 0 : i32
        %dma_wait3A_74 = tpu.memref_slice %arg18[%mul3A_70, %dma_wait3A] : memref<10000x128xf32, #tpu.memory_space<vmem_shared>> -> memref<200x128xf32, #tpu.memory_space<vmem_shared>>
        %dma_wait3A_75 = arith.constant 0 : i32
        %dma_wait3A_76 = tpu.memref_slice %arg18[%mul3A_70, %dma_wait3A_75] : memref<10000x128xf32, #tpu.memory_space<vmem_shared>> -> memref<200x128xf32, #tpu.memory_space<vmem_shared>>
        tpu.wait_dma2 semaphore(%run_scoped3A : memref<!tpu.dma_semaphore, #tpu.memory_space<semaphore_mem>>) src(%arg15 : memref<200x128xf32, #tpu.memory_space<vmem>>) dst(%dma_wait3A_76 : memref<200x128xf32, #tpu.memory_space<vmem_shared>>)
        tpu.yield
      }) : () -> ()
    } else {
    }
    %barrier3A = arith.constant 0 : index
    tpu.barrier barrier_id(%barrier3A)
    %scan3A_33 = arith.constant 0 : i32
    %scan3A_34 = arith.constant 0 : i32
    %scan3A_35 = arith.constant 125 : i32
    %scan3A_36 = arith.addi %scan3A_34, %scan3A_35 : i32
    %scan3A_37 = arith.constant 1 : i32
    %scan3A_38 = scf.for %scan3A_69 = %scan3A_34 to %scan3A_36 step %scan3A_37 iter_args(%scan3A_70 = %scan3A_33) -> (i32)  : i32 {
      %mul3A_71 = arith.constant 10000 : i32
      %mul3A_72 = arith.muli %add3A, %mul3A_71 : i32
      %mul3A_73 = arith.constant 80 : i32
      %mul3A_74 = arith.muli %scan3A_69, %mul3A_73 : i32
      %add3A_75 = arith.addi %mul3A_72, %mul3A_74 : i32
      "tpu.region"() ({
        %run_scoped3A = tpu.sem_alloc : memref<!tpu.dma_semaphore, #tpu.memory_space<semaphore_mem>>
        %dma_start3A_219 = tpu.memref_slice %arg2[%add3A_75] : memref<320000xi32, #tpu.memory_space<hbm>> -> memref<80xi32, #tpu.memory_space<hbm>>
        %dma_start3A_220 = tpu.memref_slice %arg2[%add3A_75] : memref<320000xi32, #tpu.memory_space<hbm>> -> memref<80xi32, #tpu.memory_space<hbm>>
        tpu.enqueue_dma source(%dma_start3A_220 : memref<80xi32, #tpu.memory_space<hbm>>) target(%arg8 : memref<80xi32, #tpu.memory_space<vmem>>) target_semaphore(%run_scoped3A : memref<!tpu.dma_semaphore, #tpu.memory_space<semaphore_mem>>)
        %dma_wait3A_221 = tpu.memref_slice %arg2[%add3A_75] : memref<320000xi32, #tpu.memory_space<hbm>> -> memref<80xi32, #tpu.memory_space<hbm>>
        %dma_wait3A_222 = tpu.memref_slice %arg2[%add3A_75] : memref<320000xi32, #tpu.memory_space<hbm>> -> memref<80xi32, #tpu.memory_space<hbm>>
        tpu.wait_dma2 semaphore(%run_scoped3A : memref<!tpu.dma_semaphore, #tpu.memory_space<semaphore_mem>>) src(%dma_wait3A_222 : memref<80xi32, #tpu.memory_space<hbm>>) dst(%arg8 : memref<80xi32, #tpu.memory_space<vmem>>)
        tpu.yield
      }) : () -> ()
      "tpu.region"() ({
        %run_scoped3A = tpu.sem_alloc : memref<!tpu.dma_semaphore, #tpu.memory_space<semaphore_mem>>
        %dma_start3A_219 = tpu.memref_slice %arg3[%add3A_75] : memref<320000xi32, #tpu.memory_space<hbm>> -> memref<80xi32, #tpu.memory_space<hbm>>
        %dma_start3A_220 = tpu.memref_slice %arg3[%add3A_75] : memref<320000xi32, #tpu.memory_space<hbm>> -> memref<80xi32, #tpu.memory_space<hbm>>
        tpu.enqueue_dma source(%dma_start3A_220 : memref<80xi32, #tpu.memory_space<hbm>>) target(%arg9 : memref<80xi32, #tpu.memory_space<vmem>>) target_semaphore(%run_scoped3A : memref<!tpu.dma_semaphore, #tpu.memory_space<semaphore_mem>>)
        %dma_wait3A_221 = tpu.memref_slice %arg3[%add3A_75] : memref<320000xi32, #tpu.memory_space<hbm>> -> memref<80xi32, #tpu.memory_space<hbm>>
        %dma_wait3A_222 = tpu.memref_slice %arg3[%add3A_75] : memref<320000xi32, #tpu.memory_space<hbm>> -> memref<80xi32, #tpu.memory_space<hbm>>
        tpu.wait_dma2 semaphore(%run_scoped3A : memref<!tpu.dma_semaphore, #tpu.memory_space<semaphore_mem>>) src(%dma_wait3A_222 : memref<80xi32, #tpu.memory_space<hbm>>) dst(%arg9 : memref<80xi32, #tpu.memory_space<vmem>>)
        tpu.yield
      }) : () -> ()
      "tpu.region"() ({
        %run_scoped3A = tpu.sem_alloc : memref<!tpu.dma_semaphore, #tpu.memory_space<semaphore_mem>>
        %dma_start3A_219 = tpu.memref_slice %arg4[%add3A_75] : memref<320000xi32, #tpu.memory_space<hbm>> -> memref<80xi32, #tpu.memory_space<hbm>>
        %dma_start3A_220 = tpu.memref_slice %arg4[%add3A_75] : memref<320000xi32, #tpu.memory_space<hbm>> -> memref<80xi32, #tpu.memory_space<hbm>>
        tpu.enqueue_dma source(%dma_start3A_220 : memref<80xi32, #tpu.memory_space<hbm>>) target(%arg10 : memref<80xi32, #tpu.memory_space<vmem>>) target_semaphore(%run_scoped3A : memref<!tpu.dma_semaphore, #tpu.memory_space<semaphore_mem>>)
        %dma_wait3A_221 = tpu.memref_slice %arg4[%add3A_75] : memref<320000xi32, #tpu.memory_space<hbm>> -> memref<80xi32, #tpu.memory_space<hbm>>
        %dma_wait3A_222 = tpu.memref_slice %arg4[%add3A_75] : memref<320000xi32, #tpu.memory_space<hbm>> -> memref<80xi32, #tpu.memory_space<hbm>>
        tpu.wait_dma2 semaphore(%run_scoped3A : memref<!tpu.dma_semaphore, #tpu.memory_space<semaphore_mem>>) src(%dma_wait3A_222 : memref<80xi32, #tpu.memory_space<hbm>>) dst(%arg10 : memref<80xi32, #tpu.memory_space<vmem>>)
        tpu.yield
      }) : () -> ()
      %get3A = arith.constant 0 : index
      %get3A_76 = tpu.vector_load %arg8[%get3A] {strides = array<i32>} : memref<80xi32, #tpu.memory_space<vmem>>, vector<16xi32>,
      %get3A_77 = vector.shape_cast %get3A_76 : vector<16xi32> to vector<16xi32>
      %get3A_78 = arith.constant 0 : index
      %get3A_79 = tpu.vector_load %arg9[%get3A_78] {strides = array<i32>} : memref<80xi32, #tpu.memory_space<vmem>>, vector<16xi32>,
      %get3A_80 = vector.shape_cast %get3A_79 : vector<16xi32> to vector<16xi32>
      %get3A_81 = arith.constant 0 : index
      %get3A_82 = tpu.vector_load %arg10[%get3A_81] {strides = array<i32>} : memref<80xi32, #tpu.memory_space<vmem>>, vector<16xi32>,
      %get3A_83 = vector.shape_cast %get3A_82 : vector<16xi32> to vector<16xi32>
      %mul3A_84 = arith.constant 8 : i32
      %mul3A_85 = vector.broadcast %mul3A_84 : i32 to vector<16xi32>
      %mul3A_86 = arith.muli %get3A_77, %mul3A_85 : vector<16xi32>
      %add3A_87 = arith.addi %mul3A_86, %get3A_83 : vector<16xi32>
      %swap3A = arith.constant 0 : index
      %swap3A_88 = tpu.vector_load %arg11[%swap3A] {strides = array<i32>} : memref<80xi32, #tpu.memory_space<vmem>>, vector<16xi32>,
      %swap3A_89 = vector.shape_cast %swap3A_88 : vector<16xi32> to vector<16xi32>
      %swap3A_90 = vector.shape_cast %add3A_87 : vector<16xi32> to vector<16xi32>
      tpu.vector_store %arg11[%swap3A], %swap3A_90 {strides = array<i32>} : memref<80xi32, #tpu.memory_space<vmem>>, vector<16xi32>,
      %mul3A_91 = arith.constant 8 : i32
      %mul3A_92 = vector.broadcast %mul3A_91 : i32 to vector<16xi32>
      %mul3A_93 = arith.muli %get3A_80, %mul3A_92 : vector<16xi32>
      %add3A_94 = arith.addi %mul3A_93, %get3A_83 : vector<16xi32>
      %swap3A_95 = arith.constant 0 : index
      %swap3A_96 = tpu.vector_load %arg12[%swap3A_95] {strides = array<i32>} : memref<80xi32, #tpu.memory_space<vmem>>, vector<16xi32>,
      %swap3A_97 = vector.shape_cast %swap3A_96 : vector<16xi32> to vector<16xi32>
      %swap3A_98 = vector.shape_cast %add3A_94 : vector<16xi32> to vector<16xi32>
      tpu.vector_store %arg12[%swap3A_95], %swap3A_98 {strides = array<i32>} : memref<80xi32, #tpu.memory_space<vmem>>, vector<16xi32>,
      %get3A_99 = arith.constant 16 : index
      %get3A_100 = tpu.vector_load %arg8[%get3A_99] {strides = array<i32>} : memref<80xi32, #tpu.memory_space<vmem>>, vector<16xi32>,
      %get3A_101 = vector.shape_cast %get3A_100 : vector<16xi32> to vector<16xi32>
      %get3A_102 = arith.constant 16 : index
      %get3A_103 = tpu.vector_load %arg9[%get3A_102] {strides = array<i32>} : memref<80xi32, #tpu.memory_space<vmem>>, vector<16xi32>,
      %get3A_104 = vector.shape_cast %get3A_103 : vector<16xi32> to vector<16xi32>
      %get3A_105 = arith.constant 16 : index
      %get3A_106 = tpu.vector_load %arg10[%get3A_105] {strides = array<i32>} : memref<80xi32, #tpu.memory_space<vmem>>, vector<16xi32>,
      %get3A_107 = vector.shape_cast %get3A_106 : vector<16xi32> to vector<16xi32>
      %mul3A_108 = arith.constant 8 : i32
      %mul3A_109 = vector.broadcast %mul3A_108 : i32 to vector<16xi32>
      %mul3A_110 = arith.muli %get3A_101, %mul3A_109 : vector<16xi32>
      %add3A_111 = arith.addi %mul3A_110, %get3A_107 : vector<16xi32>
      %swap3A_112 = arith.constant 16 : index
      %swap3A_113 = tpu.vector_load %arg11[%swap3A_112] {strides = array<i32>} : memref<80xi32, #tpu.memory_space<vmem>>, vector<16xi32>,
      %swap3A_114 = vector.shape_cast %swap3A_113 : vector<16xi32> to vector<16xi32>
      %swap3A_115 = vector.shape_cast %add3A_111 : vector<16xi32> to vector<16xi32>
      tpu.vector_store %arg11[%swap3A_112], %swap3A_115 {strides = array<i32>} : memref<80xi32, #tpu.memory_space<vmem>>, vector<16xi32>,
      %mul3A_116 = arith.constant 8 : i32
      %mul3A_117 = vector.broadcast %mul3A_116 : i32 to vector<16xi32>
      %mul3A_118 = arith.muli %get3A_104, %mul3A_117 : vector<16xi32>
      %add3A_119 = arith.addi %mul3A_118, %get3A_107 : vector<16xi32>
      %swap3A_120 = arith.constant 16 : index
      %swap3A_121 = tpu.vector_load %arg12[%swap3A_120] {strides = array<i32>} : memref<80xi32, #tpu.memory_space<vmem>>, vector<16xi32>,
      %swap3A_122 = vector.shape_cast %swap3A_121 : vector<16xi32> to vector<16xi32>
      %swap3A_123 = vector.shape_cast %add3A_119 : vector<16xi32> to vector<16xi32>
      tpu.vector_store %arg12[%swap3A_120], %swap3A_123 {strides = array<i32>} : memref<80xi32, #tpu.memory_space<vmem>>, vector<16xi32>,
      %get3A_124 = arith.constant 32 : index
      %get3A_125 = tpu.vector_load %arg8[%get3A_124] {strides = array<i32>} : memref<80xi32, #tpu.memory_space<vmem>>, vector<16xi32>,
      %get3A_126 = vector.shape_cast %get3A_125 : vector<16xi32> to vector<16xi32>
      %get3A_127 = arith.constant 32 : index
      %get3A_128 = tpu.vector_load %arg9[%get3A_127] {strides = array<i32>} : memref<80xi32, #tpu.memory_space<vmem>>, vector<16xi32>,
      %get3A_129 = vector.shape_cast %get3A_128 : vector<16xi32> to vector<16xi32>
      %get3A_130 = arith.constant 32 : index
      %get3A_131 = tpu.vector_load %arg10[%get3A_130] {strides = array<i32>} : memref<80xi32, #tpu.memory_space<vmem>>, vector<16xi32>,
      %get3A_132 = vector.shape_cast %get3A_131 : vector<16xi32> to vector<16xi32>
      %mul3A_133 = arith.constant 8 : i32
      %mul3A_134 = vector.broadcast %mul3A_133 : i32 to vector<16xi32>
      %mul3A_135 = arith.muli %get3A_126, %mul3A_134 : vector<16xi32>
      %add3A_136 = arith.addi %mul3A_135, %get3A_132 : vector<16xi32>
      %swap3A_137 = arith.constant 32 : index
      %swap3A_138 = tpu.vector_load %arg11[%swap3A_137] {strides = array<i32>} : memref<80xi32, #tpu.memory_space<vmem>>, vector<16xi32>,
      %swap3A_139 = vector.shape_cast %swap3A_138 : vector<16xi32> to vector<16xi32>
      %swap3A_140 = vector.shape_cast %add3A_136 : vector<16xi32> to vector<16xi32>
      tpu.vector_store %arg11[%swap3A_137], %swap3A_140 {strides = array<i32>} : memref<80xi32, #tpu.memory_space<vmem>>, vector<16xi32>,
      %mul3A_141 = arith.constant 8 : i32
      %mul3A_142 = vector.broadcast %mul3A_141 : i32 to vector<16xi32>
      %mul3A_143 = arith.muli %get3A_129, %mul3A_142 : vector<16xi32>
      %add3A_144 = arith.addi %mul3A_143, %get3A_132 : vector<16xi32>
      %swap3A_145 = arith.constant 32 : index
      %swap3A_146 = tpu.vector_load %arg12[%swap3A_145] {strides = array<i32>} : memref<80xi32, #tpu.memory_space<vmem>>, vector<16xi32>,
      %swap3A_147 = vector.shape_cast %swap3A_146 : vector<16xi32> to vector<16xi32>
      %swap3A_148 = vector.shape_cast %add3A_144 : vector<16xi32> to vector<16xi32>
      tpu.vector_store %arg12[%swap3A_145], %swap3A_148 {strides = array<i32>} : memref<80xi32, #tpu.memory_space<vmem>>, vector<16xi32>,
      %get3A_149 = arith.constant 48 : index
      %get3A_150 = tpu.vector_load %arg8[%get3A_149] {strides = array<i32>} : memref<80xi32, #tpu.memory_space<vmem>>, vector<16xi32>,
      %get3A_151 = vector.shape_cast %get3A_150 : vector<16xi32> to vector<16xi32>
      %get3A_152 = arith.constant 48 : index
      %get3A_153 = tpu.vector_load %arg9[%get3A_152] {strides = array<i32>} : memref<80xi32, #tpu.memory_space<vmem>>, vector<16xi32>,
      %get3A_154 = vector.shape_cast %get3A_153 : vector<16xi32> to vector<16xi32>
      %get3A_155 = arith.constant 48 : index
      %get3A_156 = tpu.vector_load %arg10[%get3A_155] {strides = array<i32>} : memref<80xi32, #tpu.memory_space<vmem>>, vector<16xi32>,
      %get3A_157 = vector.shape_cast %get3A_156 : vector<16xi32> to vector<16xi32>
      %mul3A_158 = arith.constant 8 : i32
      %mul3A_159 = vector.broadcast %mul3A_158 : i32 to vector<16xi32>
      %mul3A_160 = arith.muli %get3A_151, %mul3A_159 : vector<16xi32>
      %add3A_161 = arith.addi %mul3A_160, %get3A_157 : vector<16xi32>
      %swap3A_162 = arith.constant 48 : index
      %swap3A_163 = tpu.vector_load %arg11[%swap3A_162] {strides = array<i32>} : memref<80xi32, #tpu.memory_space<vmem>>, vector<16xi32>,
      %swap3A_164 = vector.shape_cast %swap3A_163 : vector<16xi32> to vector<16xi32>
      %swap3A_165 = vector.shape_cast %add3A_161 : vector<16xi32> to vector<16xi32>
      tpu.vector_store %arg11[%swap3A_162], %swap3A_165 {strides = array<i32>} : memref<80xi32, #tpu.memory_space<vmem>>, vector<16xi32>,
      %mul3A_166 = arith.constant 8 : i32
      %mul3A_167 = vector.broadcast %mul3A_166 : i32 to vector<16xi32>
      %mul3A_168 = arith.muli %get3A_154, %mul3A_167 : vector<16xi32>
      %add3A_169 = arith.addi %mul3A_168, %get3A_157 : vector<16xi32>
      %swap3A_170 = arith.constant 48 : index
      %swap3A_171 = tpu.vector_load %arg12[%swap3A_170] {strides = array<i32>} : memref<80xi32, #tpu.memory_space<vmem>>, vector<16xi32>,
      %swap3A_172 = vector.shape_cast %swap3A_171 : vector<16xi32> to vector<16xi32>
      %swap3A_173 = vector.shape_cast %add3A_169 : vector<16xi32> to vector<16xi32>
      tpu.vector_store %arg12[%swap3A_170], %swap3A_173 {strides = array<i32>} : memref<80xi32, #tpu.memory_space<vmem>>, vector<16xi32>,
      %get3A_174 = arith.constant 64 : index
      %get3A_175 = tpu.vector_load %arg8[%get3A_174] {strides = array<i32>} : memref<80xi32, #tpu.memory_space<vmem>>, vector<16xi32>,
      %get3A_176 = vector.shape_cast %get3A_175 : vector<16xi32> to vector<16xi32>
      %get3A_177 = arith.constant 64 : index
      %get3A_178 = tpu.vector_load %arg9[%get3A_177] {strides = array<i32>} : memref<80xi32, #tpu.memory_space<vmem>>, vector<16xi32>,
      %get3A_179 = vector.shape_cast %get3A_178 : vector<16xi32> to vector<16xi32>
      %get3A_180 = arith.constant 64 : index
      %get3A_181 = tpu.vector_load %arg10[%get3A_180] {strides = array<i32>} : memref<80xi32, #tpu.memory_space<vmem>>, vector<16xi32>,
      %get3A_182 = vector.shape_cast %get3A_181 : vector<16xi32> to vector<16xi32>
      %mul3A_183 = arith.constant 8 : i32
      %mul3A_184 = vector.broadcast %mul3A_183 : i32 to vector<16xi32>
      %mul3A_185 = arith.muli %get3A_176, %mul3A_184 : vector<16xi32>
      %add3A_186 = arith.addi %mul3A_185, %get3A_182 : vector<16xi32>
      %swap3A_187 = arith.constant 64 : index
      %swap3A_188 = tpu.vector_load %arg11[%swap3A_187] {strides = array<i32>} : memref<80xi32, #tpu.memory_space<vmem>>, vector<16xi32>,
      %swap3A_189 = vector.shape_cast %swap3A_188 : vector<16xi32> to vector<16xi32>
      %swap3A_190 = vector.shape_cast %add3A_186 : vector<16xi32> to vector<16xi32>
      tpu.vector_store %arg11[%swap3A_187], %swap3A_190 {strides = array<i32>} : memref<80xi32, #tpu.memory_space<vmem>>, vector<16xi32>,
      %mul3A_191 = arith.constant 8 : i32
      %mul3A_192 = vector.broadcast %mul3A_191 : i32 to vector<16xi32>
      %mul3A_193 = arith.muli %get3A_179, %mul3A_192 : vector<16xi32>
      %add3A_194 = arith.addi %mul3A_193, %get3A_182 : vector<16xi32>
      %swap3A_195 = arith.constant 64 : index
      %swap3A_196 = tpu.vector_load %arg12[%swap3A_195] {strides = array<i32>} : memref<80xi32, #tpu.memory_space<vmem>>, vector<16xi32>,
      %swap3A_197 = vector.shape_cast %swap3A_196 : vector<16xi32> to vector<16xi32>
      %swap3A_198 = vector.shape_cast %add3A_194 : vector<16xi32> to vector<16xi32>
      tpu.vector_store %arg12[%swap3A_195], %swap3A_198 {strides = array<i32>} : memref<80xi32, #tpu.memory_space<vmem>>, vector<16xi32>,
      %dma_start3A = arith.constant 0 : i32
      %dma_start3A_199 = arith.constant 0 : i32
      %dma_start3A_200 = tpu.memref_slice %arg5[%dma_start3A, %dma_start3A_199] : memref<80000x128xf32, #tpu.memory_space<hbm>> -> memref<80000x128xf32, #tpu.memory_space<hbm>>
      tpu.enqueue_indirect_dma source(%dma_start3A_200 : memref<80000x128xf32, #tpu.memory_space<hbm>>) target(%arg14 : memref<80x128xf32, #tpu.memory_space<vmem>>) offsets(%arg11 : memref<80xi32, #tpu.memory_space<vmem>>) semaphore(%arg16 : memref<!tpu.dma_semaphore, #tpu.memory_space<semaphore_mem>>)
      %dma_start3A_201 = arith.constant 0 : i32
      %dma_start3A_202 = tpu.memref_slice %arg13[%dma_start3A_201] : memref<96xf32, #tpu.memory_space<vmem>> -> memref<80xf32, #tpu.memory_space<vmem>>
      %dma_start3A_203 = arith.constant 0 : i32
      %dma_start3A_204 = tpu.memref_slice %arg6[%dma_start3A_203] : memref<80000xf32, #tpu.memory_space<hbm>> -> memref<80000xf32, #tpu.memory_space<hbm>>
      tpu.enqueue_indirect_dma source(%dma_start3A_204 : memref<80000xf32, #tpu.memory_space<hbm>>) target(%dma_start3A_202 : memref<80xf32, #tpu.memory_space<vmem>>) offsets(%arg12 : memref<80xi32, #tpu.memory_space<vmem>>) semaphore(%arg17 : memref<!tpu.dma_semaphore, #tpu.memory_space<semaphore_mem>>)
      %dma_wait3A = arith.constant 0 : i32
      %dma_wait3A_205 = arith.constant 0 : i32
      %dma_wait3A_206 = tpu.memref_slice %arg5[%dma_wait3A, %dma_wait3A_205] : memref<80000x128xf32, #tpu.memory_space<hbm>> -> memref<80000x128xf32, #tpu.memory_space<hbm>>
      tpu.wait_indirect_dma semaphore(%arg16 : memref<!tpu.dma_semaphore, #tpu.memory_space<semaphore_mem>>) src(%dma_wait3A_206 : memref<80000x128xf32, #tpu.memory_space<hbm>>) dst(%arg14 : memref<80x128xf32, #tpu.memory_space<vmem>>)
      %dma_wait3A_207 = arith.constant 0 : i32
      %dma_wait3A_208 = tpu.memref_slice %arg13[%dma_wait3A_207] : memref<96xf32, #tpu.memory_space<vmem>> -> memref<80xf32, #tpu.memory_space<vmem>>
      %dma_wait3A_209 = arith.constant 0 : i32
      %dma_wait3A_210 = tpu.memref_slice %arg6[%dma_wait3A_209] : memref<80000xf32, #tpu.memory_space<hbm>> -> memref<80000xf32, #tpu.memory_space<hbm>>
      tpu.wait_indirect_dma semaphore(%arg17 : memref<!tpu.dma_semaphore, #tpu.memory_space<semaphore_mem>>) src(%dma_wait3A_210 : memref<80000xf32, #tpu.memory_space<hbm>>) dst(%dma_wait3A_208 : memref<80xf32, #tpu.memory_space<vmem>>)
      %scan3A_211 = arith.constant 0 : i32
      %scan3A_212 = arith.constant 0 : i32
      %scan3A_213 = arith.constant 80 : i32
      %scan3A_214 = arith.addi %scan3A_212, %scan3A_213 : i32
      %scan3A_215 = arith.constant 1 : i32
      %scan3A_216 = scf.for %scan3A_219 = %scan3A_212 to %scan3A_214 step %scan3A_215 iter_args(%scan3A_220 = %scan3A_211) -> (i32)  : i32 {
        %get3A_221 = arith.index_cast %scan3A_219 : i32 to index
        %get3A_222 = tpu.vector_load %arg13[%get3A_221] {strides = array<i32>} : memref<96xf32, #tpu.memory_space<vmem>>, vector<16xf32>,
        %get3A_223 = vector.shape_cast %get3A_222 : vector<16xf32> to vector<16xf32>
        %slice3A = vector.extract_strided_slice %get3A_223 {offsets = [0], sizes = [1], strides = [1]} : vector<16xf32> to vector<1xf32>
        %squeeze3A = vector.extract %slice3A[0] : f32 from vector<1xf32>
        %get3A_224 = arith.index_cast %scan3A_219 : i32 to index
        %get3A_225 = arith.constant 0 : index
        %get3A_226 = tpu.vector_load %arg14[%get3A_224, %get3A_225] {strides = array<i32>} : memref<80x128xf32, #tpu.memory_space<vmem>>, vector<1x16xf32>,
        %get3A_227 = vector.shape_cast %get3A_226 : vector<1x16xf32> to vector<16xf32>
        %mul3A_228 = vector.broadcast %squeeze3A : f32 to vector<16xf32>
        %mul3A_229 = arith.mulf %get3A_227, %mul3A_228 : vector<16xf32>
        %swap3A_230 = arith.index_cast %scan3A_219 : i32 to index
        %swap3A_231 = arith.constant 0 : index
        %swap3A_232 = tpu.vector_load %arg14[%swap3A_230, %swap3A_231] {strides = array<i32>} : memref<80x128xf32, #tpu.memory_space<vmem>>, vector<1x16xf32>,
        %swap3A_233 = vector.shape_cast %swap3A_232 : vector<1x16xf32> to vector<16xf32>
        %swap3A_234 = vector.shape_cast %mul3A_229 : vector<16xf32> to vector<1x16xf32>
        tpu.vector_store %arg14[%swap3A_230, %swap3A_231], %swap3A_234 {strides = array<i32>} : memref<80x128xf32, #tpu.memory_space<vmem>>, vector<1x16xf32>,
        %get3A_235 = arith.index_cast %scan3A_219 : i32 to index
        %get3A_236 = arith.constant 16 : index
        %get3A_237 = tpu.vector_load %arg14[%get3A_235, %get3A_236] {strides = array<i32>} : memref<80x128xf32, #tpu.memory_space<vmem>>, vector<1x16xf32>,
        %get3A_238 = vector.shape_cast %get3A_237 : vector<1x16xf32> to vector<16xf32>
        %mul3A_239 = vector.broadcast %squeeze3A : f32 to vector<16xf32>
        %mul3A_240 = arith.mulf %get3A_238, %mul3A_239 : vector<16xf32>
        %swap3A_241 = arith.index_cast %scan3A_219 : i32 to index
        %swap3A_242 = arith.constant 16 : index
        %swap3A_243 = tpu.vector_load %arg14[%swap3A_241, %swap3A_242] {strides = array<i32>} : memref<80x128xf32, #tpu.memory_space<vmem>>, vector<1x16xf32>,
        %swap3A_244 = vector.shape_cast %swap3A_243 : vector<1x16xf32> to vector<16xf32>
        %swap3A_245 = vector.shape_cast %mul3A_240 : vector<16xf32> to vector<1x16xf32>
        tpu.vector_store %arg14[%swap3A_241, %swap3A_242], %swap3A_245 {strides = array<i32>} : memref<80x128xf32, #tpu.memory_space<vmem>>, vector<1x16xf32>,
        %get3A_246 = arith.index_cast %scan3A_219 : i32 to index
        %get3A_247 = arith.constant 32 : index
        %get3A_248 = tpu.vector_load %arg14[%get3A_246, %get3A_247] {strides = array<i32>} : memref<80x128xf32, #tpu.memory_space<vmem>>, vector<1x16xf32>,
        %get3A_249 = vector.shape_cast %get3A_248 : vector<1x16xf32> to vector<16xf32>
        %mul3A_250 = vector.broadcast %squeeze3A : f32 to vector<16xf32>
        %mul3A_251 = arith.mulf %get3A_249, %mul3A_250 : vector<16xf32>
        %swap3A_252 = arith.index_cast %scan3A_219 : i32 to index
        %swap3A_253 = arith.constant 32 : index
        %swap3A_254 = tpu.vector_load %arg14[%swap3A_252, %swap3A_253] {strides = array<i32>} : memref<80x128xf32, #tpu.memory_space<vmem>>, vector<1x16xf32>,
        %swap3A_255 = vector.shape_cast %swap3A_254 : vector<1x16xf32> to vector<16xf32>
        %swap3A_256 = vector.shape_cast %mul3A_251 : vector<16xf32> to vector<1x16xf32>
        tpu.vector_store %arg14[%swap3A_252, %swap3A_253], %swap3A_256 {strides = array<i32>} : memref<80x128xf32, #tpu.memory_space<vmem>>, vector<1x16xf32>,
        %get3A_257 = arith.index_cast %scan3A_219 : i32 to index
        %get3A_258 = arith.constant 48 : index
        %get3A_259 = tpu.vector_load %arg14[%get3A_257, %get3A_258] {strides = array<i32>} : memref<80x128xf32, #tpu.memory_space<vmem>>, vector<1x16xf32>,
        %get3A_260 = vector.shape_cast %get3A_259 : vector<1x16xf32> to vector<16xf32>
        %mul3A_261 = vector.broadcast %squeeze3A : f32 to vector<16xf32>
        %mul3A_262 = arith.mulf %get3A_260, %mul3A_261 : vector<16xf32>
        %swap3A_263 = arith.index_cast %scan3A_219 : i32 to index
        %swap3A_264 = arith.constant 48 : index
        %swap3A_265 = tpu.vector_load %arg14[%swap3A_263, %swap3A_264] {strides = array<i32>} : memref<80x128xf32, #tpu.memory_space<vmem>>, vector<1x16xf32>,
        %swap3A_266 = vector.shape_cast %swap3A_265 : vector<1x16xf32> to vector<16xf32>
        %swap3A_267 = vector.shape_cast %mul3A_262 : vector<16xf32> to vector<1x16xf32>
        tpu.vector_store %arg14[%swap3A_263, %swap3A_264], %swap3A_267 {strides = array<i32>} : memref<80x128xf32, #tpu.memory_space<vmem>>, vector<1x16xf32>,
        %get3A_268 = arith.index_cast %scan3A_219 : i32 to index
        %get3A_269 = arith.constant 64 : index
        %get3A_270 = tpu.vector_load %arg14[%get3A_268, %get3A_269] {strides = array<i32>} : memref<80x128xf32, #tpu.memory_space<vmem>>, vector<1x16xf32>,
        %get3A_271 = vector.shape_cast %get3A_270 : vector<1x16xf32> to vector<16xf32>
        %mul3A_272 = vector.broadcast %squeeze3A : f32 to vector<16xf32>
        %mul3A_273 = arith.mulf %get3A_271, %mul3A_272 : vector<16xf32>
        %swap3A_274 = arith.index_cast %scan3A_219 : i32 to index
        %swap3A_275 = arith.constant 64 : index
        %swap3A_276 = tpu.vector_load %arg14[%swap3A_274, %swap3A_275] {strides = array<i32>} : memref<80x128xf32, #tpu.memory_space<vmem>>, vector<1x16xf32>,
        %swap3A_277 = vector.shape_cast %swap3A_276 : vector<1x16xf32> to vector<16xf32>
        %swap3A_278 = vector.shape_cast %mul3A_273 : vector<16xf32> to vector<1x16xf32>
        tpu.vector_store %arg14[%swap3A_274, %swap3A_275], %swap3A_278 {strides = array<i32>} : memref<80x128xf32, #tpu.memory_space<vmem>>, vector<1x16xf32>,
        %get3A_279 = arith.index_cast %scan3A_219 : i32 to index
        %get3A_280 = arith.constant 80 : index
        %get3A_281 = tpu.vector_load %arg14[%get3A_279, %get3A_280] {strides = array<i32>} : memref<80x128xf32, #tpu.memory_space<vmem>>, vector<1x16xf32>,
        %get3A_282 = vector.shape_cast %get3A_281 : vector<1x16xf32> to vector<16xf32>
        %mul3A_283 = vector.broadcast %squeeze3A : f32 to vector<16xf32>
        %mul3A_284 = arith.mulf %get3A_282, %mul3A_283 : vector<16xf32>
        %swap3A_285 = arith.index_cast %scan3A_219 : i32 to index
        %swap3A_286 = arith.constant 80 : index
        %swap3A_287 = tpu.vector_load %arg14[%swap3A_285, %swap3A_286] {strides = array<i32>} : memref<80x128xf32, #tpu.memory_space<vmem>>, vector<1x16xf32>,
        %swap3A_288 = vector.shape_cast %swap3A_287 : vector<1x16xf32> to vector<16xf32>
        %swap3A_289 = vector.shape_cast %mul3A_284 : vector<16xf32> to vector<1x16xf32>
        tpu.vector_store %arg14[%swap3A_285, %swap3A_286], %swap3A_289 {strides = array<i32>} : memref<80x128xf32, #tpu.memory_space<vmem>>, vector<1x16xf32>,
        %get3A_290 = arith.index_cast %scan3A_219 : i32 to index
        %get3A_291 = arith.constant 96 : index
        %get3A_292 = tpu.vector_load %arg14[%get3A_290, %get3A_291] {strides = array<i32>} : memref<80x128xf32, #tpu.memory_space<vmem>>, vector<1x16xf32>,
        %get3A_293 = vector.shape_cast %get3A_292 : vector<1x16xf32> to vector<16xf32>
        %mul3A_294 = vector.broadcast %squeeze3A : f32 to vector<16xf32>
        %mul3A_295 = arith.mulf %get3A_293, %mul3A_294 : vector<16xf32>
        %swap3A_296 = arith.index_cast %scan3A_219 : i32 to index
        %swap3A_297 = arith.constant 96 : index
        %swap3A_298 = tpu.vector_load %arg14[%swap3A_296, %swap3A_297] {strides = array<i32>} : memref<80x128xf32, #tpu.memory_space<vmem>>, vector<1x16xf32>,
        %swap3A_299 = vector.shape_cast %swap3A_298 : vector<1x16xf32> to vector<16xf32>
        %swap3A_300 = vector.shape_cast %mul3A_295 : vector<16xf32> to vector<1x16xf32>
        tpu.vector_store %arg14[%swap3A_296, %swap3A_297], %swap3A_300 {strides = array<i32>} : memref<80x128xf32, #tpu.memory_space<vmem>>, vector<1x16xf32>,
        %get3A_301 = arith.index_cast %scan3A_219 : i32 to index
        %get3A_302 = arith.constant 112 : index
        %get3A_303 = tpu.vector_load %arg14[%get3A_301, %get3A_302] {strides = array<i32>} : memref<80x128xf32, #tpu.memory_space<vmem>>, vector<1x16xf32>,
        %get3A_304 = vector.shape_cast %get3A_303 : vector<1x16xf32> to vector<16xf32>
        %mul3A_305 = vector.broadcast %squeeze3A : f32 to vector<16xf32>
        %mul3A_306 = arith.mulf %get3A_304, %mul3A_305 : vector<16xf32>
        %swap3A_307 = arith.index_cast %scan3A_219 : i32 to index
        %swap3A_308 = arith.constant 112 : index
        %swap3A_309 = tpu.vector_load %arg14[%swap3A_307, %swap3A_308] {strides = array<i32>} : memref<80x128xf32, #tpu.memory_space<vmem>>, vector<1x16xf32>,
        %swap3A_310 = vector.shape_cast %swap3A_309 : vector<1x16xf32> to vector<16xf32>
        %swap3A_311 = vector.shape_cast %mul3A_306 : vector<16xf32> to vector<1x16xf32>
        tpu.vector_store %arg14[%swap3A_307, %swap3A_308], %swap3A_311 {strides = array<i32>} : memref<80x128xf32, #tpu.memory_space<vmem>>, vector<1x16xf32>,
        %scan3A_312 = arith.constant 0 : i32
        scf.yield %scan3A_312 : i32
      }
      %scan3A_217 = arith.constant 80 : i32
      "tpu.region"() ({
        %run_scoped3A = tpu.sem_alloc : memref<!tpu.dma_semaphore, #tpu.memory_space<semaphore_mem>>
        %dma_start3A_219 = arith.constant 0 : i32
        %dma_start3A_220 = arith.constant 0 : i32
        %dma_start3A_221 = tpu.memref_slice %arg18[%dma_start3A_219, %dma_start3A_220] : memref<10000x128xf32, #tpu.memory_space<vmem_shared>> -> memref<10000x128xf32, #tpu.memory_space<vmem_shared>>
        tpu.enqueue_indirect_dma source(%arg14 : memref<80x128xf32, #tpu.memory_space<vmem>>) target(%dma_start3A_221 : memref<10000x128xf32, #tpu.memory_space<vmem_shared>>) offsets(%arg9 : memref<80xi32, #tpu.memory_space<vmem>>) semaphore(%run_scoped3A : memref<!tpu.dma_semaphore, #tpu.memory_space<semaphore_mem>>) {add = true}
        %dma_wait3A_222 = arith.constant 0 : i32
        %dma_wait3A_223 = arith.constant 0 : i32
        %dma_wait3A_224 = tpu.memref_slice %arg18[%dma_wait3A_222, %dma_wait3A_223] : memref<10000x128xf32, #tpu.memory_space<vmem_shared>> -> memref<10000x128xf32, #tpu.memory_space<vmem_shared>>
        tpu.wait_indirect_dma semaphore(%run_scoped3A : memref<!tpu.dma_semaphore, #tpu.memory_space<semaphore_mem>>) src(%arg14 : memref<80x128xf32, #tpu.memory_space<vmem>>) dst(%dma_wait3A_224 : memref<10000x128xf32, #tpu.memory_space<vmem_shared>>)
        tpu.yield
      }) : () -> ()
      %scan3A_218 = arith.constant 0 : i32
      scf.yield %scan3A_218 : i32
    }
    %scan3A_39 = arith.constant 125 : i32
    %barrier3A_40 = arith.constant 0 : index
    tpu.barrier barrier_id(%barrier3A_40)
    %add3A_41 = arith.constant 0 : i32
    %add3A_42 = arith.addi %arg1, %add3A_41 : i32
    %lt3A_43 = arith.constant 50 : i32
    %lt3A_44 = arith.cmpi slt, %add3A_42, %lt3A_43 : i32
    %convert_element_type3A_45 = arith.extui %lt3A_44 : i1 to i32
    %cond3A_46 = arith.constant 0 : i32
    %cond3A_47 = arith.cmpi ne, %convert_element_type3A_45, %cond3A_46 : i32
    scf.if %cond3A_47 {
      %mul3A_69 = arith.constant 200 : i32
      %mul3A_70 = arith.muli %add3A_42, %mul3A_69 : i32
      "tpu.region"() ({
        %run_scoped3A = tpu.sem_alloc : memref<!tpu.dma_semaphore, #tpu.memory_space<semaphore_mem>>
        %dma_start3A = arith.constant 0 : i32
        %dma_start3A_71 = tpu.memref_slice %arg18[%mul3A_70, %dma_start3A] : memref<10000x128xf32, #tpu.memory_space<vmem_shared>> -> memref<200x128xf32, #tpu.memory_space<vmem_shared>>
        %dma_start3A_72 = arith.constant 0 : i32
        %dma_start3A_73 = tpu.memref_slice %arg18[%mul3A_70, %dma_start3A_72] : memref<10000x128xf32, #tpu.memory_space<vmem_shared>> -> memref<200x128xf32, #tpu.memory_space<vmem_shared>>
        tpu.enqueue_dma source(%dma_start3A_73 : memref<200x128xf32, #tpu.memory_space<vmem_shared>>) target(%arg15 : memref<200x128xf32, #tpu.memory_space<vmem>>) target_semaphore(%run_scoped3A : memref<!tpu.dma_semaphore, #tpu.memory_space<semaphore_mem>>)
        %dma_wait3A = arith.constant 0 : i32
        %dma_wait3A_74 = tpu.memref_slice %arg18[%mul3A_70, %dma_wait3A] : memref<10000x128xf32, #tpu.memory_space<vmem_shared>> -> memref<200x128xf32, #tpu.memory_space<vmem_shared>>
        %dma_wait3A_75 = arith.constant 0 : i32
        %dma_wait3A_76 = tpu.memref_slice %arg18[%mul3A_70, %dma_wait3A_75] : memref<10000x128xf32, #tpu.memory_space<vmem_shared>> -> memref<200x128xf32, #tpu.memory_space<vmem_shared>>
        tpu.wait_dma2 semaphore(%run_scoped3A : memref<!tpu.dma_semaphore, #tpu.memory_space<semaphore_mem>>) src(%dma_wait3A_76 : memref<200x128xf32, #tpu.memory_space<vmem_shared>>) dst(%arg15 : memref<200x128xf32, #tpu.memory_space<vmem>>)
        tpu.yield
      }) : () -> ()
      "tpu.region"() ({
        %run_scoped3A = tpu.sem_alloc : memref<!tpu.dma_semaphore, #tpu.memory_space<semaphore_mem>>
        %dma_start3A = arith.constant 0 : i32
        %dma_start3A_71 = tpu.memref_slice %arg7[%arg0, %mul3A_70, %dma_start3A] : memref<2x10000x128xf32, #tpu.memory_space<hbm>> -> memref<1x200x128xf32, #tpu.memory_space<hbm>>
        %dma_start3A_72 = tpu.memref_squeeze %dma_start3A_71 : memref<1x200x128xf32, #tpu.memory_space<hbm>> -> memref<200x128xf32, #tpu.memory_space<hbm>>
        %dma_start3A_73 = arith.constant 0 : i32
        %dma_start3A_74 = tpu.memref_slice %arg7[%arg0, %mul3A_70, %dma_start3A_73] : memref<2x10000x128xf32, #tpu.memory_space<hbm>> -> memref<1x200x128xf32, #tpu.memory_space<hbm>>
        %dma_start3A_75 = tpu.memref_squeeze %dma_start3A_74 : memref<1x200x128xf32, #tpu.memory_space<hbm>> -> memref<200x128xf32, #tpu.memory_space<hbm>>
        tpu.enqueue_dma source(%arg15 : memref<200x128xf32, #tpu.memory_space<vmem>>) target(%dma_start3A_75 : memref<200x128xf32, #tpu.memory_space<hbm>>) target_semaphore(%run_scoped3A : memref<!tpu.dma_semaphore, #tpu.memory_space<semaphore_mem>>)
        %dma_wait3A = arith.constant 0 : i32
        %dma_wait3A_76 = tpu.memref_slice %arg7[%arg0, %mul3A_70, %dma_wait3A] : memref<2x10000x128xf32, #tpu.memory_space<hbm>> -> memref<1x200x128xf32, #tpu.memory_space<hbm>>
        %dma_wait3A_77 = tpu.memref_squeeze %dma_wait3A_76 : memref<1x200x128xf32, #tpu.memory_space<hbm>> -> memref<200x128xf32, #tpu.memory_space<hbm>>
        %dma_wait3A_78 = arith.constant 0 : i32
        %dma_wait3A_79 = tpu.memref_slice %arg7[%arg0, %mul3A_70, %dma_wait3A_78] : memref<2x10000x128xf32, #tpu.memory_space<hbm>> -> memref<1x200x128xf32, #tpu.memory_space<hbm>>
        %dma_wait3A_80 = tpu.memref_squeeze %dma_wait3A_79 : memref<1x200x128xf32, #tpu.memory_space<hbm>> -> memref<200x128xf32, #tpu.memory_space<hbm>>
        tpu.wait_dma2 semaphore(%run_scoped3A : memref<!tpu.dma_semaphore, #tpu.memory_space<semaphore_mem>>) src(%arg15 : memref<200x128xf32, #tpu.memory_space<vmem>>) dst(%dma_wait3A_80 : memref<200x128xf32, #tpu.memory_space<hbm>>)
        tpu.yield
      }) : () -> ()
    } else {
    }
    %add3A_48 = arith.constant 16 : i32
    %add3A_49 = arith.addi %arg1, %add3A_48 : i32
    %lt3A_50 = arith.constant 50 : i32
    %lt3A_51 = arith.cmpi slt, %add3A_49, %lt3A_50 : i32
    %convert_element_type3A_52 = arith.extui %lt3A_51 : i1 to i32
    %cond3A_53 = arith.constant 0 : i32
    %cond3A_54 = arith.cmpi ne, %convert_element_type3A_52, %cond3A_53 : i32
    scf.if %cond3A_54 {
      %mul3A_69 = arith.constant 200 : i32
      %mul3A_70 = arith.muli %add3A_49, %mul3A_69 : i32
      "tpu.region"() ({
        %run_scoped3A = tpu.sem_alloc : memref<!tpu.dma_semaphore, #tpu.memory_space<semaphore_mem>>
        %dma_start3A = arith.constant 0 : i32
        %dma_start3A_71 = tpu.memref_slice %arg18[%mul3A_70, %dma_start3A] : memref<10000x128xf32, #tpu.memory_space<vmem_shared>> -> memref<200x128xf32, #tpu.memory_space<vmem_shared>>
        %dma_start3A_72 = arith.constant 0 : i32
        %dma_start3A_73 = tpu.memref_slice %arg18[%mul3A_70, %dma_start3A_72] : memref<10000x128xf32, #tpu.memory_space<vmem_shared>> -> memref<200x128xf32, #tpu.memory_space<vmem_shared>>
        tpu.enqueue_dma source(%dma_start3A_73 : memref<200x128xf32, #tpu.memory_space<vmem_shared>>) target(%arg15 : memref<200x128xf32, #tpu.memory_space<vmem>>) target_semaphore(%run_scoped3A : memref<!tpu.dma_semaphore, #tpu.memory_space<semaphore_mem>>)
        %dma_wait3A = arith.constant 0 : i32
        %dma_wait3A_74 = tpu.memref_slice %arg18[%mul3A_70, %dma_wait3A] : memref<10000x128xf32, #tpu.memory_space<vmem_shared>> -> memref<200x128xf32, #tpu.memory_space<vmem_shared>>
        %dma_wait3A_75 = arith.constant 0 : i32
        %dma_wait3A_76 = tpu.memref_slice %arg18[%mul3A_70, %dma_wait3A_75] : memref<10000x128xf32, #tpu.memory_space<vmem_shared>> -> memref<200x128xf32, #tpu.memory_space<vmem_shared>>
        tpu.wait_dma2 semaphore(%run_scoped3A : memref<!tpu.dma_semaphore, #tpu.memory_space<semaphore_mem>>) src(%dma_wait3A_76 : memref<200x128xf32, #tpu.memory_space<vmem_shared>>) dst(%arg15 : memref<200x128xf32, #tpu.memory_space<vmem>>)
        tpu.yield
      }) : () -> ()
      "tpu.region"() ({
        %run_scoped3A = tpu.sem_alloc : memref<!tpu.dma_semaphore, #tpu.memory_space<semaphore_mem>>
        %dma_start3A = arith.constant 0 : i32
        %dma_start3A_71 = tpu.memref_slice %arg7[%arg0, %mul3A_70, %dma_start3A] : memref<2x10000x128xf32, #tpu.memory_space<hbm>> -> memref<1x200x128xf32, #tpu.memory_space<hbm>>
        %dma_start3A_72 = tpu.memref_squeeze %dma_start3A_71 : memref<1x200x128xf32, #tpu.memory_space<hbm>> -> memref<200x128xf32, #tpu.memory_space<hbm>>
        %dma_start3A_73 = arith.constant 0 : i32
        %dma_start3A_74 = tpu.memref_slice %arg7[%arg0, %mul3A_70, %dma_start3A_73] : memref<2x10000x128xf32, #tpu.memory_space<hbm>> -> memref<1x200x128xf32, #tpu.memory_space<hbm>>
        %dma_start3A_75 = tpu.memref_squeeze %dma_start3A_74 : memref<1x200x128xf32, #tpu.memory_space<hbm>> -> memref<200x128xf32, #tpu.memory_space<hbm>>
        tpu.enqueue_dma source(%arg15 : memref<200x128xf32, #tpu.memory_space<vmem>>) target(%dma_start3A_75 : memref<200x128xf32, #tpu.memory_space<hbm>>) target_semaphore(%run_scoped3A : memref<!tpu.dma_semaphore, #tpu.memory_space<semaphore_mem>>)
        %dma_wait3A = arith.constant 0 : i32
        %dma_wait3A_76 = tpu.memref_slice %arg7[%arg0, %mul3A_70, %dma_wait3A] : memref<2x10000x128xf32, #tpu.memory_space<hbm>> -> memref<1x200x128xf32, #tpu.memory_space<hbm>>
        %dma_wait3A_77 = tpu.memref_squeeze %dma_wait3A_76 : memref<1x200x128xf32, #tpu.memory_space<hbm>> -> memref<200x128xf32, #tpu.memory_space<hbm>>
        %dma_wait3A_78 = arith.constant 0 : i32
        %dma_wait3A_79 = tpu.memref_slice %arg7[%arg0, %mul3A_70, %dma_wait3A_78] : memref<2x10000x128xf32, #tpu.memory_space<hbm>> -> memref<1x200x128xf32, #tpu.memory_space<hbm>>
        %dma_wait3A_80 = tpu.memref_squeeze %dma_wait3A_79 : memref<1x200x128xf32, #tpu.memory_space<hbm>> -> memref<200x128xf32, #tpu.memory_space<hbm>>
        tpu.wait_dma2 semaphore(%run_scoped3A : memref<!tpu.dma_semaphore, #tpu.memory_space<semaphore_mem>>) src(%arg15 : memref<200x128xf32, #tpu.memory_space<vmem>>) dst(%dma_wait3A_80 : memref<200x128xf32, #tpu.memory_space<hbm>>)
        tpu.yield
      }) : () -> ()
    } else {
    }
    %add3A_55 = arith.constant 32 : i32
    %add3A_56 = arith.addi %arg1, %add3A_55 : i32
    %lt3A_57 = arith.constant 50 : i32
    %lt3A_58 = arith.cmpi slt, %add3A_56, %lt3A_57 : i32
    %convert_element_type3A_59 = arith.extui %lt3A_58 : i1 to i32
    %cond3A_60 = arith.constant 0 : i32
    %cond3A_61 = arith.cmpi ne, %convert_element_type3A_59, %cond3A_60 : i32
    scf.if %cond3A_61 {
      %mul3A_69 = arith.constant 200 : i32
      %mul3A_70 = arith.muli %add3A_56, %mul3A_69 : i32
      "tpu.region"() ({
        %run_scoped3A = tpu.sem_alloc : memref<!tpu.dma_semaphore, #tpu.memory_space<semaphore_mem>>
        %dma_start3A = arith.constant 0 : i32
        %dma_start3A_71 = tpu.memref_slice %arg18[%mul3A_70, %dma_start3A] : memref<10000x128xf32, #tpu.memory_space<vmem_shared>> -> memref<200x128xf32, #tpu.memory_space<vmem_shared>>
        %dma_start3A_72 = arith.constant 0 : i32
        %dma_start3A_73 = tpu.memref_slice %arg18[%mul3A_70, %dma_start3A_72] : memref<10000x128xf32, #tpu.memory_space<vmem_shared>> -> memref<200x128xf32, #tpu.memory_space<vmem_shared>>
        tpu.enqueue_dma source(%dma_start3A_73 : memref<200x128xf32, #tpu.memory_space<vmem_shared>>) target(%arg15 : memref<200x128xf32, #tpu.memory_space<vmem>>) target_semaphore(%run_scoped3A : memref<!tpu.dma_semaphore, #tpu.memory_space<semaphore_mem>>)
        %dma_wait3A = arith.constant 0 : i32
        %dma_wait3A_74 = tpu.memref_slice %arg18[%mul3A_70, %dma_wait3A] : memref<10000x128xf32, #tpu.memory_space<vmem_shared>> -> memref<200x128xf32, #tpu.memory_space<vmem_shared>>
        %dma_wait3A_75 = arith.constant 0 : i32
        %dma_wait3A_76 = tpu.memref_slice %arg18[%mul3A_70, %dma_wait3A_75] : memref<10000x128xf32, #tpu.memory_space<vmem_shared>> -> memref<200x128xf32, #tpu.memory_space<vmem_shared>>
        tpu.wait_dma2 semaphore(%run_scoped3A : memref<!tpu.dma_semaphore, #tpu.memory_space<semaphore_mem>>) src(%dma_wait3A_76 : memref<200x128xf32, #tpu.memory_space<vmem_shared>>) dst(%arg15 : memref<200x128xf32, #tpu.memory_space<vmem>>)
        tpu.yield
      }) : () -> ()
      "tpu.region"() ({
        %run_scoped3A = tpu.sem_alloc : memref<!tpu.dma_semaphore, #tpu.memory_space<semaphore_mem>>
        %dma_start3A = arith.constant 0 : i32
        %dma_start3A_71 = tpu.memref_slice %arg7[%arg0, %mul3A_70, %dma_start3A] : memref<2x10000x128xf32, #tpu.memory_space<hbm>> -> memref<1x200x128xf32, #tpu.memory_space<hbm>>
        %dma_start3A_72 = tpu.memref_squeeze %dma_start3A_71 : memref<1x200x128xf32, #tpu.memory_space<hbm>> -> memref<200x128xf32, #tpu.memory_space<hbm>>
        %dma_start3A_73 = arith.constant 0 : i32
        %dma_start3A_74 = tpu.memref_slice %arg7[%arg0, %mul3A_70, %dma_start3A_73] : memref<2x10000x128xf32, #tpu.memory_space<hbm>> -> memref<1x200x128xf32, #tpu.memory_space<hbm>>
        %dma_start3A_75 = tpu.memref_squeeze %dma_start3A_74 : memref<1x200x128xf32, #tpu.memory_space<hbm>> -> memref<200x128xf32, #tpu.memory_space<hbm>>
        tpu.enqueue_dma source(%arg15 : memref<200x128xf32, #tpu.memory_space<vmem>>) target(%dma_start3A_75 : memref<200x128xf32, #tpu.memory_space<hbm>>) target_semaphore(%run_scoped3A : memref<!tpu.dma_semaphore, #tpu.memory_space<semaphore_mem>>)
        %dma_wait3A = arith.constant 0 : i32
        %dma_wait3A_76 = tpu.memref_slice %arg7[%arg0, %mul3A_70, %dma_wait3A] : memref<2x10000x128xf32, #tpu.memory_space<hbm>> -> memref<1x200x128xf32, #tpu.memory_space<hbm>>
        %dma_wait3A_77 = tpu.memref_squeeze %dma_wait3A_76 : memref<1x200x128xf32, #tpu.memory_space<hbm>> -> memref<200x128xf32, #tpu.memory_space<hbm>>
        %dma_wait3A_78 = arith.constant 0 : i32
        %dma_wait3A_79 = tpu.memref_slice %arg7[%arg0, %mul3A_70, %dma_wait3A_78] : memref<2x10000x128xf32, #tpu.memory_space<hbm>> -> memref<1x200x128xf32, #tpu.memory_space<hbm>>
        %dma_wait3A_80 = tpu.memref_squeeze %dma_wait3A_79 : memref<1x200x128xf32, #tpu.memory_space<hbm>> -> memref<200x128xf32, #tpu.memory_space<hbm>>
        tpu.wait_dma2 semaphore(%run_scoped3A : memref<!tpu.dma_semaphore, #tpu.memory_space<semaphore_mem>>) src(%arg15 : memref<200x128xf32, #tpu.memory_space<vmem>>) dst(%dma_wait3A_80 : memref<200x128xf32, #tpu.memory_space<hbm>>)
        tpu.yield
      }) : () -> ()
    } else {
    }
    %add3A_62 = arith.constant 48 : i32
    %add3A_63 = arith.addi %arg1, %add3A_62 : i32
    %lt3A_64 = arith.constant 50 : i32
    %lt3A_65 = arith.cmpi slt, %add3A_63, %lt3A_64 : i32
    %convert_element_type3A_66 = arith.extui %lt3A_65 : i1 to i32
    %cond3A_67 = arith.constant 0 : i32
    %cond3A_68 = arith.cmpi ne, %convert_element_type3A_66, %cond3A_67 : i32
    scf.if %cond3A_68 {
      %mul3A_69 = arith.constant 200 : i32
      %mul3A_70 = arith.muli %add3A_63, %mul3A_69 : i32
      "tpu.region"() ({
        %run_scoped3A = tpu.sem_alloc : memref<!tpu.dma_semaphore, #tpu.memory_space<semaphore_mem>>
        %dma_start3A = arith.constant 0 : i32
        %dma_start3A_71 = tpu.memref_slice %arg18[%mul3A_70, %dma_start3A] : memref<10000x128xf32, #tpu.memory_space<vmem_shared>> -> memref<200x128xf32, #tpu.memory_space<vmem_shared>>
        %dma_start3A_72 = arith.constant 0 : i32
        %dma_start3A_73 = tpu.memref_slice %arg18[%mul3A_70, %dma_start3A_72] : memref<10000x128xf32, #tpu.memory_space<vmem_shared>> -> memref<200x128xf32, #tpu.memory_space<vmem_shared>>
        tpu.enqueue_dma source(%dma_start3A_73 : memref<200x128xf32, #tpu.memory_space<vmem_shared>>) target(%arg15 : memref<200x128xf32, #tpu.memory_space<vmem>>) target_semaphore(%run_scoped3A : memref<!tpu.dma_semaphore, #tpu.memory_space<semaphore_mem>>)
        %dma_wait3A = arith.constant 0 : i32
        %dma_wait3A_74 = tpu.memref_slice %arg18[%mul3A_70, %dma_wait3A] : memref<10000x128xf32, #tpu.memory_space<vmem_shared>> -> memref<200x128xf32, #tpu.memory_space<vmem_shared>>
        %dma_wait3A_75 = arith.constant 0 : i32
        %dma_wait3A_76 = tpu.memref_slice %arg18[%mul3A_70, %dma_wait3A_75] : memref<10000x128xf32, #tpu.memory_space<vmem_shared>> -> memref<200x128xf32, #tpu.memory_space<vmem_shared>>
        tpu.wait_dma2 semaphore(%run_scoped3A : memref<!tpu.dma_semaphore, #tpu.memory_space<semaphore_mem>>) src(%dma_wait3A_76 : memref<200x128xf32, #tpu.memory_space<vmem_shared>>) dst(%arg15 : memref<200x128xf32, #tpu.memory_space<vmem>>)
        tpu.yield
      }) : () -> ()
      "tpu.region"() ({
        %run_scoped3A = tpu.sem_alloc : memref<!tpu.dma_semaphore, #tpu.memory_space<semaphore_mem>>
        %dma_start3A = arith.constant 0 : i32
        %dma_start3A_71 = tpu.memref_slice %arg7[%arg0, %mul3A_70, %dma_start3A] : memref<2x10000x128xf32, #tpu.memory_space<hbm>> -> memref<1x200x128xf32, #tpu.memory_space<hbm>>
        %dma_start3A_72 = tpu.memref_squeeze %dma_start3A_71 : memref<1x200x128xf32, #tpu.memory_space<hbm>> -> memref<200x128xf32, #tpu.memory_space<hbm>>
        %dma_start3A_73 = arith.constant 0 : i32
        %dma_start3A_74 = tpu.memref_slice %arg7[%arg0, %mul3A_70, %dma_start3A_73] : memref<2x10000x128xf32, #tpu.memory_space<hbm>> -> memref<1x200x128xf32, #tpu.memory_space<hbm>>
        %dma_start3A_75 = tpu.memref_squeeze %dma_start3A_74 : memref<1x200x128xf32, #tpu.memory_space<hbm>> -> memref<200x128xf32, #tpu.memory_space<hbm>>
        tpu.enqueue_dma source(%arg15 : memref<200x128xf32, #tpu.memory_space<vmem>>) target(%dma_start3A_75 : memref<200x128xf32, #tpu.memory_space<hbm>>) target_semaphore(%run_scoped3A : memref<!tpu.dma_semaphore, #tpu.memory_space<semaphore_mem>>)
        %dma_wait3A = arith.constant 0 : i32
        %dma_wait3A_76 = tpu.memref_slice %arg7[%arg0, %mul3A_70, %dma_wait3A] : memref<2x10000x128xf32, #tpu.memory_space<hbm>> -> memref<1x200x128xf32, #tpu.memory_space<hbm>>
        %dma_wait3A_77 = tpu.memref_squeeze %dma_wait3A_76 : memref<1x200x128xf32, #tpu.memory_space<hbm>> -> memref<200x128xf32, #tpu.memory_space<hbm>>
        %dma_wait3A_78 = arith.constant 0 : i32
        %dma_wait3A_79 = tpu.memref_slice %arg7[%arg0, %mul3A_70, %dma_wait3A_78] : memref<2x10000x128xf32, #tpu.memory_space<hbm>> -> memref<1x200x128xf32, #tpu.memory_space<hbm>>
        %dma_wait3A_80 = tpu.memref_squeeze %dma_wait3A_79 : memref<1x200x128xf32, #tpu.memory_space<hbm>> -> memref<200x128xf32, #tpu.memory_space<hbm>>
        tpu.wait_dma2 semaphore(%run_scoped3A : memref<!tpu.dma_semaphore, #tpu.memory_space<semaphore_mem>>) src(%arg15 : memref<200x128xf32, #tpu.memory_space<vmem>>) dst(%dma_wait3A_80 : memref<200x128xf32, #tpu.memory_space<hbm>>)
        tpu.yield
      }) : () -> ()
    } else {
    }
    return
  }
}

#map = affine_map<(d0, d1) -> (0)>
module attributes {stable_mosaic.version = 14 : i64} {
  func.func @_count_kernel(%arg0: i32, %arg1: i32, %arg2: memref<320000xi32, #tpu.memory_space<hbm>>, %arg3: memref<320000xi32, #tpu.memory_space<hbm>>, %arg4: memref<160000xf32, #tpu.memory_space<hbm>>, %arg5: memref<80xi32, #tpu.memory_space<vmem>>, %arg6: memref<80xi32, #tpu.memory_space<vmem>>, %arg7: memref<80xi32, #tpu.memory_space<vmem>>, %arg8: memref<80xf32, #tpu.memory_space<vmem>>, %arg9: memref<5000xf32, #tpu.memory_space<vmem>>, %arg10: memref<80000xf32, #tpu.memory_space<vmem_shared>>) attributes {dimension_semantics = [#tpu.dimension_semantics<core_parallel>, #tpu.dimension_semantics<subcore_parallel>], iteration_bounds = array<i64: 2, 16>, scalar_prefetch = 0 : i64, scratch_operands = 6 : i64, tpu.core_type = #tpu.core_type<sc_vector_subcore>, window_params = [{transform_indices = #map}, {transform_indices = #map}, {transform_indices = #map}]} {
    %mul3A = arith.constant 2 : i32
    %mul3A_0 = arith.muli %arg1, %mul3A : i32
    %add3A = arith.addi %mul3A_0, %arg0 : i32
    %broadcast_in_dim3A = arith.constant 1.000000e+00 : f32
    %broadcast_in_dim3A_1 = vector.broadcast %broadcast_in_dim3A : f32 to vector<16xf32>
    %broadcast_in_dim3A_2 = arith.constant 0.000000e+00 : f32
    %broadcast_in_dim3A_3 = vector.broadcast %broadcast_in_dim3A_2 : f32 to vector<16xf32>
    %swap3A = arith.constant 0 : index
    %swap3A_4 = tpu.vector_load %arg8[%swap3A] {strides = array<i32>} : memref<80xf32, #tpu.memory_space<vmem>>, vector<16xf32>,
    %swap3A_5 = vector.shape_cast %swap3A_4 : vector<16xf32> to vector<16xf32>
    %swap3A_6 = vector.shape_cast %broadcast_in_dim3A_1 : vector<16xf32> to vector<16xf32>
    tpu.vector_store %arg8[%swap3A], %swap3A_6 {strides = array<i32>} : memref<80xf32, #tpu.memory_space<vmem>>, vector<16xf32>,
    %swap3A_7 = arith.constant 16 : index
    %swap3A_8 = tpu.vector_load %arg8[%swap3A_7] {strides = array<i32>} : memref<80xf32, #tpu.memory_space<vmem>>, vector<16xf32>,
    %swap3A_9 = vector.shape_cast %swap3A_8 : vector<16xf32> to vector<16xf32>
    %swap3A_10 = vector.shape_cast %broadcast_in_dim3A_1 : vector<16xf32> to vector<16xf32>
    tpu.vector_store %arg8[%swap3A_7], %swap3A_10 {strides = array<i32>} : memref<80xf32, #tpu.memory_space<vmem>>, vector<16xf32>,
    %swap3A_11 = arith.constant 32 : index
    %swap3A_12 = tpu.vector_load %arg8[%swap3A_11] {strides = array<i32>} : memref<80xf32, #tpu.memory_space<vmem>>, vector<16xf32>,
    %swap3A_13 = vector.shape_cast %swap3A_12 : vector<16xf32> to vector<16xf32>
    %swap3A_14 = vector.shape_cast %broadcast_in_dim3A_1 : vector<16xf32> to vector<16xf32>
    tpu.vector_store %arg8[%swap3A_11], %swap3A_14 {strides = array<i32>} : memref<80xf32, #tpu.memory_space<vmem>>, vector<16xf32>,
    %swap3A_15 = arith.constant 48 : index
    %swap3A_16 = tpu.vector_load %arg8[%swap3A_15] {strides = array<i32>} : memref<80xf32, #tpu.memory_space<vmem>>, vector<16xf32>,
    %swap3A_17 = vector.shape_cast %swap3A_16 : vector<16xf32> to vector<16xf32>
    %swap3A_18 = vector.shape_cast %broadcast_in_dim3A_1 : vector<16xf32> to vector<16xf32>
    tpu.vector_store %arg8[%swap3A_15], %swap3A_18 {strides = array<i32>} : memref<80xf32, #tpu.memory_space<vmem>>, vector<16xf32>,
    %swap3A_19 = arith.constant 64 : index
    %swap3A_20 = tpu.vector_load %arg8[%swap3A_19] {strides = array<i32>} : memref<80xf32, #tpu.memory_space<vmem>>, vector<16xf32>,
    %swap3A_21 = vector.shape_cast %swap3A_20 : vector<16xf32> to vector<16xf32>
    %swap3A_22 = vector.shape_cast %broadcast_in_dim3A_1 : vector<16xf32> to vector<16xf32>
    tpu.vector_store %arg8[%swap3A_19], %swap3A_22 {strides = array<i32>} : memref<80xf32, #tpu.memory_space<vmem>>, vector<16xf32>,
    %scan3A = arith.constant 0 : i32
    %scan3A_23 = arith.constant 0 : i32
    %scan3A_24 = arith.constant 312 : i32
    %scan3A_25 = arith.addi %scan3A_23, %scan3A_24 : i32
    %scan3A_26 = arith.constant 1 : i32
    %scan3A_27 = scf.for %scan3A_46 = %scan3A_23 to %scan3A_25 step %scan3A_26 iter_args(%scan3A_47 = %scan3A) -> (i32)  : i32 {
      %mul3A_48 = arith.constant 16 : i32
      %mul3A_49 = arith.muli %scan3A_46, %mul3A_48 : i32
      %swap3A_50 = arith.index_cast %mul3A_49 : i32 to index
      %swap3A_51 = tpu.vector_load %arg9[%swap3A_50] {strides = array<i32>} : memref<5000xf32, #tpu.memory_space<vmem>>, vector<16xf32>,
      %swap3A_52 = vector.shape_cast %swap3A_51 : vector<16xf32> to vector<16xf32>
      %swap3A_53 = vector.shape_cast %broadcast_in_dim3A_3 : vector<16xf32> to vector<16xf32>
      tpu.vector_store %arg9[%swap3A_50], %swap3A_53 {strides = array<i32>} : memref<5000xf32, #tpu.memory_space<vmem>>, vector<16xf32>,
      %scan3A_54 = arith.constant 0 : i32
      scf.yield %scan3A_54 : i32
    }
    %scan3A_28 = arith.constant 312 : i32
    %mul3A_29 = arith.constant 5000 : i32
    %mul3A_30 = arith.muli %arg1, %mul3A_29 : i32
    "tpu.region"() ({
      %run_scoped3A = tpu.sem_alloc : memref<!tpu.dma_semaphore, #tpu.memory_space<semaphore_mem>>
      %dma_start3A = tpu.memref_slice %arg10[%mul3A_30] : memref<80000xf32, #tpu.memory_space<vmem_shared>> -> memref<5000xf32, #tpu.memory_space<vmem_shared>>
      %dma_start3A_46 = tpu.memref_slice %arg10[%mul3A_30] : memref<80000xf32, #tpu.memory_space<vmem_shared>> -> memref<5000xf32, #tpu.memory_space<vmem_shared>>
      tpu.enqueue_dma source(%arg9 : memref<5000xf32, #tpu.memory_space<vmem>>) target(%dma_start3A_46 : memref<5000xf32, #tpu.memory_space<vmem_shared>>) target_semaphore(%run_scoped3A : memref<!tpu.dma_semaphore, #tpu.memory_space<semaphore_mem>>)
      %dma_wait3A = tpu.memref_slice %arg10[%mul3A_30] : memref<80000xf32, #tpu.memory_space<vmem_shared>> -> memref<5000xf32, #tpu.memory_space<vmem_shared>>
      %dma_wait3A_47 = tpu.memref_slice %arg10[%mul3A_30] : memref<80000xf32, #tpu.memory_space<vmem_shared>> -> memref<5000xf32, #tpu.memory_space<vmem_shared>>
      tpu.wait_dma2 semaphore(%run_scoped3A : memref<!tpu.dma_semaphore, #tpu.memory_space<semaphore_mem>>) src(%arg9 : memref<5000xf32, #tpu.memory_space<vmem>>) dst(%dma_wait3A_47 : memref<5000xf32, #tpu.memory_space<vmem_shared>>)
      tpu.yield
    }) : () -> ()
    %barrier3A = arith.constant 0 : index
    tpu.barrier barrier_id(%barrier3A)
    %scan3A_31 = arith.constant 0 : i32
    %scan3A_32 = arith.constant 0 : i32
    %scan3A_33 = arith.constant 125 : i32
    %scan3A_34 = arith.addi %scan3A_32, %scan3A_33 : i32
    %scan3A_35 = arith.constant 1 : i32
    %scan3A_36 = scf.for %scan3A_46 = %scan3A_32 to %scan3A_34 step %scan3A_35 iter_args(%scan3A_47 = %scan3A_31) -> (i32)  : i32 {
      %mul3A_48 = arith.constant 10000 : i32
      %mul3A_49 = arith.muli %add3A, %mul3A_48 : i32
      %mul3A_50 = arith.constant 80 : i32
      %mul3A_51 = arith.muli %scan3A_46, %mul3A_50 : i32
      %add3A_52 = arith.addi %mul3A_49, %mul3A_51 : i32
      "tpu.region"() ({
        %run_scoped3A = tpu.sem_alloc : memref<!tpu.dma_semaphore, #tpu.memory_space<semaphore_mem>>
        %dma_start3A = tpu.memref_slice %arg2[%add3A_52] : memref<320000xi32, #tpu.memory_space<hbm>> -> memref<80xi32, #tpu.memory_space<hbm>>
        %dma_start3A_123 = tpu.memref_slice %arg2[%add3A_52] : memref<320000xi32, #tpu.memory_space<hbm>> -> memref<80xi32, #tpu.memory_space<hbm>>
        tpu.enqueue_dma source(%dma_start3A_123 : memref<80xi32, #tpu.memory_space<hbm>>) target(%arg5 : memref<80xi32, #tpu.memory_space<vmem>>) target_semaphore(%run_scoped3A : memref<!tpu.dma_semaphore, #tpu.memory_space<semaphore_mem>>)
        %dma_wait3A = tpu.memref_slice %arg2[%add3A_52] : memref<320000xi32, #tpu.memory_space<hbm>> -> memref<80xi32, #tpu.memory_space<hbm>>
        %dma_wait3A_124 = tpu.memref_slice %arg2[%add3A_52] : memref<320000xi32, #tpu.memory_space<hbm>> -> memref<80xi32, #tpu.memory_space<hbm>>
        tpu.wait_dma2 semaphore(%run_scoped3A : memref<!tpu.dma_semaphore, #tpu.memory_space<semaphore_mem>>) src(%dma_wait3A_124 : memref<80xi32, #tpu.memory_space<hbm>>) dst(%arg5 : memref<80xi32, #tpu.memory_space<vmem>>)
        tpu.yield
      }) : () -> ()
      "tpu.region"() ({
        %run_scoped3A = tpu.sem_alloc : memref<!tpu.dma_semaphore, #tpu.memory_space<semaphore_mem>>
        %dma_start3A = tpu.memref_slice %arg3[%add3A_52] : memref<320000xi32, #tpu.memory_space<hbm>> -> memref<80xi32, #tpu.memory_space<hbm>>
        %dma_start3A_123 = tpu.memref_slice %arg3[%add3A_52] : memref<320000xi32, #tpu.memory_space<hbm>> -> memref<80xi32, #tpu.memory_space<hbm>>
        tpu.enqueue_dma source(%dma_start3A_123 : memref<80xi32, #tpu.memory_space<hbm>>) target(%arg6 : memref<80xi32, #tpu.memory_space<vmem>>) target_semaphore(%run_scoped3A : memref<!tpu.dma_semaphore, #tpu.memory_space<semaphore_mem>>)
        %dma_wait3A = tpu.memref_slice %arg3[%add3A_52] : memref<320000xi32, #tpu.memory_space<hbm>> -> memref<80xi32, #tpu.memory_space<hbm>>
        %dma_wait3A_124 = tpu.memref_slice %arg3[%add3A_52] : memref<320000xi32, #tpu.memory_space<hbm>> -> memref<80xi32, #tpu.memory_space<hbm>>
        tpu.wait_dma2 semaphore(%run_scoped3A : memref<!tpu.dma_semaphore, #tpu.memory_space<semaphore_mem>>) src(%dma_wait3A_124 : memref<80xi32, #tpu.memory_space<hbm>>) dst(%arg6 : memref<80xi32, #tpu.memory_space<vmem>>)
        tpu.yield
      }) : () -> ()
      %get3A = arith.constant 0 : index
      %get3A_53 = tpu.vector_load %arg5[%get3A] {strides = array<i32>} : memref<80xi32, #tpu.memory_space<vmem>>, vector<16xi32>,
      %get3A_54 = vector.shape_cast %get3A_53 : vector<16xi32> to vector<16xi32>
      %get3A_55 = arith.constant 0 : index
      %get3A_56 = tpu.vector_load %arg6[%get3A_55] {strides = array<i32>} : memref<80xi32, #tpu.memory_space<vmem>>, vector<16xi32>,
      %get3A_57 = vector.shape_cast %get3A_56 : vector<16xi32> to vector<16xi32>
      %mul3A_58 = arith.constant 8 : i32
      %mul3A_59 = vector.broadcast %mul3A_58 : i32 to vector<16xi32>
      %mul3A_60 = arith.muli %get3A_54, %mul3A_59 : vector<16xi32>
      %add3A_61 = arith.addi %mul3A_60, %get3A_57 : vector<16xi32>
      %swap3A_62 = arith.constant 0 : index
      %swap3A_63 = tpu.vector_load %arg7[%swap3A_62] {strides = array<i32>} : memref<80xi32, #tpu.memory_space<vmem>>, vector<16xi32>,
      %swap3A_64 = vector.shape_cast %swap3A_63 : vector<16xi32> to vector<16xi32>
      %swap3A_65 = vector.shape_cast %add3A_61 : vector<16xi32> to vector<16xi32>
      tpu.vector_store %arg7[%swap3A_62], %swap3A_65 {strides = array<i32>} : memref<80xi32, #tpu.memory_space<vmem>>, vector<16xi32>,
      %get3A_66 = arith.constant 16 : index
      %get3A_67 = tpu.vector_load %arg5[%get3A_66] {strides = array<i32>} : memref<80xi32, #tpu.memory_space<vmem>>, vector<16xi32>,
      %get3A_68 = vector.shape_cast %get3A_67 : vector<16xi32> to vector<16xi32>
      %get3A_69 = arith.constant 16 : index
      %get3A_70 = tpu.vector_load %arg6[%get3A_69] {strides = array<i32>} : memref<80xi32, #tpu.memory_space<vmem>>, vector<16xi32>,
      %get3A_71 = vector.shape_cast %get3A_70 : vector<16xi32> to vector<16xi32>
      %mul3A_72 = arith.constant 8 : i32
      %mul3A_73 = vector.broadcast %mul3A_72 : i32 to vector<16xi32>
      %mul3A_74 = arith.muli %get3A_68, %mul3A_73 : vector<16xi32>
      %add3A_75 = arith.addi %mul3A_74, %get3A_71 : vector<16xi32>
      %swap3A_76 = arith.constant 16 : index
      %swap3A_77 = tpu.vector_load %arg7[%swap3A_76] {strides = array<i32>} : memref<80xi32, #tpu.memory_space<vmem>>, vector<16xi32>,
      %swap3A_78 = vector.shape_cast %swap3A_77 : vector<16xi32> to vector<16xi32>
      %swap3A_79 = vector.shape_cast %add3A_75 : vector<16xi32> to vector<16xi32>
      tpu.vector_store %arg7[%swap3A_76], %swap3A_79 {strides = array<i32>} : memref<80xi32, #tpu.memory_space<vmem>>, vector<16xi32>,
      %get3A_80 = arith.constant 32 : index
      %get3A_81 = tpu.vector_load %arg5[%get3A_80] {strides = array<i32>} : memref<80xi32, #tpu.memory_space<vmem>>, vector<16xi32>,
      %get3A_82 = vector.shape_cast %get3A_81 : vector<16xi32> to vector<16xi32>
      %get3A_83 = arith.constant 32 : index
      %get3A_84 = tpu.vector_load %arg6[%get3A_83] {strides = array<i32>} : memref<80xi32, #tpu.memory_space<vmem>>, vector<16xi32>,
      %get3A_85 = vector.shape_cast %get3A_84 : vector<16xi32> to vector<16xi32>
      %mul3A_86 = arith.constant 8 : i32
      %mul3A_87 = vector.broadcast %mul3A_86 : i32 to vector<16xi32>
      %mul3A_88 = arith.muli %get3A_82, %mul3A_87 : vector<16xi32>
      %add3A_89 = arith.addi %mul3A_88, %get3A_85 : vector<16xi32>
      %swap3A_90 = arith.constant 32 : index
      %swap3A_91 = tpu.vector_load %arg7[%swap3A_90] {strides = array<i32>} : memref<80xi32, #tpu.memory_space<vmem>>, vector<16xi32>,
      %swap3A_92 = vector.shape_cast %swap3A_91 : vector<16xi32> to vector<16xi32>
      %swap3A_93 = vector.shape_cast %add3A_89 : vector<16xi32> to vector<16xi32>
      tpu.vector_store %arg7[%swap3A_90], %swap3A_93 {strides = array<i32>} : memref<80xi32, #tpu.memory_space<vmem>>, vector<16xi32>,
      %get3A_94 = arith.constant 48 : index
      %get3A_95 = tpu.vector_load %arg5[%get3A_94] {strides = array<i32>} : memref<80xi32, #tpu.memory_space<vmem>>, vector<16xi32>,
      %get3A_96 = vector.shape_cast %get3A_95 : vector<16xi32> to vector<16xi32>
      %get3A_97 = arith.constant 48 : index
      %get3A_98 = tpu.vector_load %arg6[%get3A_97] {strides = array<i32>} : memref<80xi32, #tpu.memory_space<vmem>>, vector<16xi32>,
      %get3A_99 = vector.shape_cast %get3A_98 : vector<16xi32> to vector<16xi32>
      %mul3A_100 = arith.constant 8 : i32
      %mul3A_101 = vector.broadcast %mul3A_100 : i32 to vector<16xi32>
      %mul3A_102 = arith.muli %get3A_96, %mul3A_101 : vector<16xi32>
      %add3A_103 = arith.addi %mul3A_102, %get3A_99 : vector<16xi32>
      %swap3A_104 = arith.constant 48 : index
      %swap3A_105 = tpu.vector_load %arg7[%swap3A_104] {strides = array<i32>} : memref<80xi32, #tpu.memory_space<vmem>>, vector<16xi32>,
      %swap3A_106 = vector.shape_cast %swap3A_105 : vector<16xi32> to vector<16xi32>
      %swap3A_107 = vector.shape_cast %add3A_103 : vector<16xi32> to vector<16xi32>
      tpu.vector_store %arg7[%swap3A_104], %swap3A_107 {strides = array<i32>} : memref<80xi32, #tpu.memory_space<vmem>>, vector<16xi32>,
      %get3A_108 = arith.constant 64 : index
      %get3A_109 = tpu.vector_load %arg5[%get3A_108] {strides = array<i32>} : memref<80xi32, #tpu.memory_space<vmem>>, vector<16xi32>,
      %get3A_110 = vector.shape_cast %get3A_109 : vector<16xi32> to vector<16xi32>
      %get3A_111 = arith.constant 64 : index
      %get3A_112 = tpu.vector_load %arg6[%get3A_111] {strides = array<i32>} : memref<80xi32, #tpu.memory_space<vmem>>, vector<16xi32>,
      %get3A_113 = vector.shape_cast %get3A_112 : vector<16xi32> to vector<16xi32>
      %mul3A_114 = arith.constant 8 : i32
      %mul3A_115 = vector.broadcast %mul3A_114 : i32 to vector<16xi32>
      %mul3A_116 = arith.muli %get3A_110, %mul3A_115 : vector<16xi32>
      %add3A_117 = arith.addi %mul3A_116, %get3A_113 : vector<16xi32>
      %swap3A_118 = arith.constant 64 : index
      %swap3A_119 = tpu.vector_load %arg7[%swap3A_118] {strides = array<i32>} : memref<80xi32, #tpu.memory_space<vmem>>, vector<16xi32>,
      %swap3A_120 = vector.shape_cast %swap3A_119 : vector<16xi32> to vector<16xi32>
      %swap3A_121 = vector.shape_cast %add3A_117 : vector<16xi32> to vector<16xi32>
      tpu.vector_store %arg7[%swap3A_118], %swap3A_121 {strides = array<i32>} : memref<80xi32, #tpu.memory_space<vmem>>, vector<16xi32>,
      "tpu.region"() ({
        %run_scoped3A = tpu.sem_alloc : memref<!tpu.dma_semaphore, #tpu.memory_space<semaphore_mem>>
        %dma_start3A = arith.constant 0 : i32
        %dma_start3A_123 = tpu.memref_slice %arg10[%dma_start3A] : memref<80000xf32, #tpu.memory_space<vmem_shared>> -> memref<80000xf32, #tpu.memory_space<vmem_shared>>
        tpu.enqueue_indirect_dma source(%arg8 : memref<80xf32, #tpu.memory_space<vmem>>) target(%dma_start3A_123 : memref<80000xf32, #tpu.memory_space<vmem_shared>>) offsets(%arg7 : memref<80xi32, #tpu.memory_space<vmem>>) semaphore(%run_scoped3A : memref<!tpu.dma_semaphore, #tpu.memory_space<semaphore_mem>>) {add = true}
        %dma_wait3A = arith.constant 0 : i32
        %dma_wait3A_124 = tpu.memref_slice %arg10[%dma_wait3A] : memref<80000xf32, #tpu.memory_space<vmem_shared>> -> memref<80000xf32, #tpu.memory_space<vmem_shared>>
        tpu.wait_indirect_dma semaphore(%run_scoped3A : memref<!tpu.dma_semaphore, #tpu.memory_space<semaphore_mem>>) src(%arg8 : memref<80xf32, #tpu.memory_space<vmem>>) dst(%dma_wait3A_124 : memref<80000xf32, #tpu.memory_space<vmem_shared>>)
        tpu.yield
      }) : () -> ()
      %scan3A_122 = arith.constant 0 : i32
      scf.yield %scan3A_122 : i32
    }
    %scan3A_37 = arith.constant 125 : i32
    %barrier3A_38 = arith.constant 0 : index
    tpu.barrier barrier_id(%barrier3A_38)
    %mul3A_39 = arith.constant 5000 : i32
    %mul3A_40 = arith.muli %arg1, %mul3A_39 : i32
    "tpu.region"() ({
      %run_scoped3A = tpu.sem_alloc : memref<!tpu.dma_semaphore, #tpu.memory_space<semaphore_mem>>
      %dma_start3A = tpu.memref_slice %arg10[%mul3A_40] : memref<80000xf32, #tpu.memory_space<vmem_shared>> -> memref<5000xf32, #tpu.memory_space<vmem_shared>>
      %dma_start3A_46 = tpu.memref_slice %arg10[%mul3A_40] : memref<80000xf32, #tpu.memory_space<vmem_shared>> -> memref<5000xf32, #tpu.memory_space<vmem_shared>>
      tpu.enqueue_dma source(%dma_start3A_46 : memref<5000xf32, #tpu.memory_space<vmem_shared>>) target(%arg9 : memref<5000xf32, #tpu.memory_space<vmem>>) target_semaphore(%run_scoped3A : memref<!tpu.dma_semaphore, #tpu.memory_space<semaphore_mem>>)
      %dma_wait3A = tpu.memref_slice %arg10[%mul3A_40] : memref<80000xf32, #tpu.memory_space<vmem_shared>> -> memref<5000xf32, #tpu.memory_space<vmem_shared>>
      %dma_wait3A_47 = tpu.memref_slice %arg10[%mul3A_40] : memref<80000xf32, #tpu.memory_space<vmem_shared>> -> memref<5000xf32, #tpu.memory_space<vmem_shared>>
      tpu.wait_dma2 semaphore(%run_scoped3A : memref<!tpu.dma_semaphore, #tpu.memory_space<semaphore_mem>>) src(%dma_wait3A_47 : memref<5000xf32, #tpu.memory_space<vmem_shared>>) dst(%arg9 : memref<5000xf32, #tpu.memory_space<vmem>>)
      tpu.yield
    }) : () -> ()
    %mul3A_41 = arith.constant 80000 : i32
    %mul3A_42 = arith.muli %arg0, %mul3A_41 : i32
    %mul3A_43 = arith.constant 5000 : i32
    %mul3A_44 = arith.muli %arg1, %mul3A_43 : i32
    %add3A_45 = arith.addi %mul3A_42, %mul3A_44 : i32
    "tpu.region"() ({
      %run_scoped3A = tpu.sem_alloc : memref<!tpu.dma_semaphore, #tpu.memory_space<semaphore_mem>>
      %dma_start3A = tpu.memref_slice %arg4[%add3A_45] : memref<160000xf32, #tpu.memory_space<hbm>> -> memref<5000xf32, #tpu.memory_space<hbm>>
      %dma_start3A_46 = tpu.memref_slice %arg4[%add3A_45] : memref<160000xf32, #tpu.memory_space<hbm>> -> memref<5000xf32, #tpu.memory_space<hbm>>
      tpu.enqueue_dma source(%arg9 : memref<5000xf32, #tpu.memory_space<vmem>>) target(%dma_start3A_46 : memref<5000xf32, #tpu.memory_space<hbm>>) target_semaphore(%run_scoped3A : memref<!tpu.dma_semaphore, #tpu.memory_space<semaphore_mem>>)
      %dma_wait3A = tpu.memref_slice %arg4[%add3A_45] : memref<160000xf32, #tpu.memory_space<hbm>> -> memref<5000xf32, #tpu.memory_space<hbm>>
      %dma_wait3A_47 = tpu.memref_slice %arg4[%add3A_45] : memref<160000xf32, #tpu.memory_space<hbm>> -> memref<5000xf32, #tpu.memory_space<hbm>>
      tpu.wait_dma2 semaphore(%run_scoped3A : memref<!tpu.dma_semaphore, #tpu.memory_space<semaphore_mem>>) src(%arg9 : memref<5000xf32, #tpu.memory_space<vmem>>) dst(%dma_wait3A_47 : memref<5000xf32, #tpu.memory_space<hbm>>)
      tpu.yield
    }) : () -> ()
    return
  }
}

module attributes {stable_mosaic.version = 14 : i64} {
  func.func @_y_body(%arg0: i32, %arg1: memref<1000x128xf32, #tpu.memory_space<vmem>>, %arg2: memref<128x1024xf32, #tpu.memory_space<vmem>>, %arg3: memref<1000x1024xf32, #tpu.memory_space<vmem>>) attributes {dimension_semantics = [#tpu.dimension_semantics<arbitrary>], iteration_bounds = array<i64: 10>, scalar_prefetch = 0 : i64, scratch_operands = 0 : i64, tpu.core_type = #tpu.core_type<tc>, window_params = [{transform_indices = @transform_0, window_bounds = array<i64: 1000, 128>}, {pipeline_mode = #tpu.pipeline_mode<synchronous>, transform_indices = @transform_1, window_bounds = array<i64: 128, 1024>}, {transform_indices = @transform_2, window_bounds = array<i64: 1000, 1024>}]} {
    %get3A = arith.constant 0 : index
    %get3A_0 = arith.constant 0 : index
    %get3A_1 = vector.load %arg1[%get3A, %get3A_0] : memref<1000x128xf32, #tpu.memory_space<vmem>>, vector<1000x128xf32>
    %get3A_2 = arith.constant 0 : index
    %get3A_3 = arith.constant 0 : index
    %get3A_4 = vector.load %arg2[%get3A_2, %get3A_3] : memref<128x1024xf32, #tpu.memory_space<vmem>>, vector<128x1024xf32>
    %dot_general3A = arith.constant dense<0.000000e+00> : vector<1000x1024xf32>
    %dot_general3A_5 = tpu.matmul %get3A_1, %get3A_4, %dot_general3A {dimension_numbers = #tpu.dot_dimension_numbers<[1], [0], [0], [1], [0, 0, 1, 1], [], []>, transpose_lhs_hint = false} : vector<1000x128xf32>, vector<128x1024xf32>, vector<1000x1024xf32> -> vector<1000x1024xf32>
    %swap3A = arith.constant 0 : index
    %swap3A_6 = arith.constant 0 : index
    %swap3A_7 = vector.load %arg3[%swap3A, %swap3A_6] : memref<1000x1024xf32, #tpu.memory_space<vmem>>, vector<1000x1024xf32>
    tpu.vector_store %arg3[%swap3A, %swap3A_6], %dot_general3A_5 {strides = array<i32>} : memref<1000x1024xf32, #tpu.memory_space<vmem>>, vector<1000x1024xf32>,
    return
  }
  func.func @transform_0(%arg0: i32) -> (i32, i32) {
    %c0_i32 = arith.constant 0 : i32
    %c0_i32_0 = arith.constant 0 : i32
    return %arg0, %c0_i32 : i32, i32
  }
  func.func @transform_1(%arg0: i32) -> (i32, i32) {
    %c0_i32 = arith.constant 0 : i32
    %c0_i32_0 = arith.constant 0 : i32
    %c0_i32_1 = arith.constant 0 : i32
    return %c0_i32, %c0_i32_0 : i32, i32
  }
  func.func @transform_2(%arg0: i32) -> (i32, i32) {
    %c0_i32 = arith.constant 0 : i32
    %c0_i32_0 = arith.constant 0 : i32
    return %arg0, %c0_i32 : i32, i32
  }
}

module attributes {stable_mosaic.version = 14 : i64} {
  func.func @_inv_body(%arg0: memref<2x625x128xf32, #tpu.memory_space<vmem>>, %arg1: memref<625x128xf32, #tpu.memory_space<vmem>>) attributes {dimension_semantics = [], scalar_prefetch = 0 : i64, scratch_operands = 0 : i64, tpu.core_type = #tpu.core_type<tc>} {
    %get3A = arith.constant 0 : index
    %get3A_0 = arith.constant 0 : index
    %get3A_1 = arith.constant 0 : index
    %get3A_2 = vector.load %arg0[%get3A, %get3A_0, %get3A_1] : memref<2x625x128xf32, #tpu.memory_space<vmem>>, vector<1x625x128xf32>
    %get3A_3 = vector.shape_cast %get3A_2 : vector<1x625x128xf32> to vector<625x128xf32>
    %get3A_4 = arith.constant 1 : index
    %get3A_5 = arith.constant 0 : index
    %get3A_6 = arith.constant 0 : index
    %get3A_7 = vector.load %arg0[%get3A_4, %get3A_5, %get3A_6] : memref<2x625x128xf32, #tpu.memory_space<vmem>>, vector<1x625x128xf32>
    %get3A_8 = vector.shape_cast %get3A_7 : vector<1x625x128xf32> to vector<625x128xf32>
    %add3A = arith.addf %get3A_3, %get3A_8 : vector<625x128xf32>
    %max3A = arith.constant 1.000000e+00 : f32
    %max3A_9 = vector.broadcast %max3A : f32 to vector<625x128xf32>
    %max3A_10 = arith.maximumf %add3A, %max3A_9 : vector<625x128xf32>
    %div3A = arith.constant 1.000000e+00 : f32
    %div3A_11 = vector.broadcast %div3A : f32 to vector<625x128xf32>
    %div3A_12 = arith.divf %div3A_11, %max3A_10 : vector<625x128xf32>
    %swap3A = arith.constant 0 : index
    %swap3A_13 = arith.constant 0 : index
    %swap3A_14 = vector.load %arg1[%swap3A, %swap3A_13] : memref<625x128xf32, #tpu.memory_space<vmem>>, vector<625x128xf32>
    tpu.vector_store %arg1[%swap3A, %swap3A_13], %div3A_12 {strides = array<i32>} : memref<625x128xf32, #tpu.memory_space<vmem>>, vector<625x128xf32>,
    return
  }
}

module attributes {stable_mosaic.version = 14 : i64} {
  func.func @_final_body(%arg0: i32, %arg1: memref<2x1000x128xf32, #tpu.memory_space<vmem>>, %arg2: memref<1000x128xf32, #tpu.memory_space<vmem>>, %arg3: memref<128x128xf32, #tpu.memory_space<vmem>>, %arg4: memref<1x128xf32, #tpu.memory_space<vmem>>, %arg5: memref<1000x128xf32, #tpu.memory_space<vmem>>) attributes {dimension_semantics = [#tpu.dimension_semantics<arbitrary>], iteration_bounds = array<i64: 10>, scalar_prefetch = 0 : i64, scratch_operands = 0 : i64, tpu.core_type = #tpu.core_type<tc>, window_params = [{transform_indices = @transform_0, window_bounds = array<i64: 2, 1000, 128>}, {transform_indices = @transform_1, window_bounds = array<i64: 1000, 128>}, {pipeline_mode = #tpu.pipeline_mode<synchronous>, transform_indices = @transform_2, window_bounds = array<i64: 128, 128>}, {pipeline_mode = #tpu.pipeline_mode<synchronous>, transform_indices = @transform_3, window_bounds = array<i64: 1, 128>}, {transform_indices = @transform_4, window_bounds = array<i64: 1000, 128>}]} {
    %get3A = arith.constant 0 : index
    %get3A_0 = arith.constant 0 : index
    %get3A_1 = arith.constant 0 : index
    %get3A_2 = vector.load %arg1[%get3A, %get3A_0, %get3A_1] : memref<2x1000x128xf32, #tpu.memory_space<vmem>>, vector<1x1000x128xf32>
    %get3A_3 = vector.shape_cast %get3A_2 : vector<1x1000x128xf32> to vector<1000x128xf32>
    %get3A_4 = arith.constant 1 : index
    %get3A_5 = arith.constant 0 : index
    %get3A_6 = arith.constant 0 : index
    %get3A_7 = vector.load %arg1[%get3A_4, %get3A_5, %get3A_6] : memref<2x1000x128xf32, #tpu.memory_space<vmem>>, vector<1x1000x128xf32>
    %get3A_8 = vector.shape_cast %get3A_7 : vector<1x1000x128xf32> to vector<1000x128xf32>
    %add3A = arith.addf %get3A_3, %get3A_8 : vector<1000x128xf32>
    %get3A_9 = arith.constant 0 : index
    %get3A_10 = arith.constant 0 : index
    %get3A_11 = vector.load %arg2[%get3A_9, %get3A_10] : memref<1000x128xf32, #tpu.memory_space<vmem>>, vector<1000x128xf32>
    %get3A_12 = arith.constant 0 : index
    %get3A_13 = arith.constant 0 : index
    %get3A_14 = vector.load %arg3[%get3A_12, %get3A_13] : memref<128x128xf32, #tpu.memory_space<vmem>>, vector<128x128xf32>
    %dot_general3A = arith.constant dense<0.000000e+00> : vector<1000x128xf32>
    %dot_general3A_15 = tpu.matmul %get3A_11, %get3A_14, %dot_general3A {dimension_numbers = #tpu.dot_dimension_numbers<[1], [0], [0], [1], [0, 0, 1, 1], [], []>, transpose_lhs_hint = false} : vector<1000x128xf32>, vector<128x128xf32>, vector<1000x128xf32> -> vector<1000x128xf32>
    %add3A_16 = arith.addf %add3A, %dot_general3A_15 : vector<1000x128xf32>
    %get3A_17 = arith.constant 0 : index
    %get3A_18 = arith.constant 0 : index
    %get3A_19 = vector.load %arg4[%get3A_17, %get3A_18] : memref<1x128xf32, #tpu.memory_space<vmem>>, vector<1x128xf32>
    %add3A_20 = vector.broadcast %get3A_19 : vector<1x128xf32> to vector<1000x128xf32>
    %add3A_21 = arith.addf %add3A_16, %add3A_20 : vector<1000x128xf32>
    %swap3A = arith.constant 0 : index
    %swap3A_22 = arith.constant 0 : index
    %swap3A_23 = vector.load %arg5[%swap3A, %swap3A_22] : memref<1000x128xf32, #tpu.memory_space<vmem>>, vector<1000x128xf32>
    tpu.vector_store %arg5[%swap3A, %swap3A_22], %add3A_21 {strides = array<i32>} : memref<1000x128xf32, #tpu.memory_space<vmem>>, vector<1000x128xf32>,
    return
  }
  func.func @transform_0(%arg0: i32) -> (i32, i32, i32) {
    %c0_i32 = arith.constant 0 : i32
    %c0_i32_0 = arith.constant 0 : i32
    %c0_i32_1 = arith.constant 0 : i32
    return %c0_i32, %arg0, %c0_i32_0 : i32, i32, i32
  }
  func.func @transform_1(%arg0: i32) -> (i32, i32) {
    %c0_i32 = arith.constant 0 : i32
    %c0_i32_0 = arith.constant 0 : i32
    return %arg0, %c0_i32 : i32, i32
  }
  func.func @transform_2(%arg0: i32) -> (i32, i32) {
    %c0_i32 = arith.constant 0 : i32
    %c0_i32_0 = arith.constant 0 : i32
    %c0_i32_1 = arith.constant 0 : i32
    return %c0_i32, %c0_i32_0 : i32, i32
  }
  func.func @transform_3(%arg0: i32) -> (i32, i32) {
    %c0_i32 = arith.constant 0 : i32
    %c0_i32_0 = arith.constant 0 : i32
    %c0_i32_1 = arith.constant 0 : i32
    return %c0_i32, %c0_i32_0 : i32, i32
  }
  func.func @transform_4(%arg0: i32) -> (i32, i32) {
    %c0_i32 = arith.constant 0 : i32
    %c0_i32_0 = arith.constant 0 : i32
    return %arg0, %c0_i32 : i32, i32
  }
}

</mosaic_0001>

<sc_bundles>
// kernel: kernel.10.cloned.1.call-start
scs
__scs_entry_jumppad:
0x0: {  	(pc) =	sbr.rel $0x88, $3  }
0x1: {  	(tag) =	ssettag $0x0;
	lr =	simm.s32 $0x1  }
0x2: {  	[smem:$0x3F9B] =	sst lr;
	_ =	strace $0xD0000000  }
0x3: {  	_ = 	snop  }
0x4: {  	_ = 	snop  }
0x5: {  	_ = 	snop  }
0x6: {  	_ = 	snop  }
0x7: {  	_ = 	snop  }
__scs_overlays_trampoline_lowered:
0x8: {  	[smem:$0x3FAA] =	sst s0  }
0x9: {  	[smem:$0x3FAB] =	sst s1  }
0xa: {  	[smem:$0x3FAC] =	sst s2  }
0xb: {  	[smem:$0x3FAD] =	sst s3  }
0xc: {  	[smem:$0x3FAE] =	sst s4  }
0xd: {  	[smem:$0x3FAF] =	sst s5  }
0xe: {  	[smem:$0x3FB0] =	sst s6  }
0xf: {  	[smem:$0x3FB1] =	sst s7  }
0x10: {  	[smem:$0x3FB2] =	sst s8  }
0x11: {  	[smem:$0x3FB3] =	sst s9;
	s0 =	simm.s32 @!p0 $0x0  }
0x12: {  	s1 =	sld [smem:$0x3F99];
	s0 =	simm.s32 @p0 $0x1  }
0x13: {  	[smem:$0x3FB4] =	sst s0;
	s0 =	simm.s32 @!p1 $0x0  }
0x14: {  	s2 =	sld [smem:$0x3F98];
	s0 =	simm.s32 @p1 $0x1  }
0x15: {  	[smem:$0x3FB5] =	sst s0;
	s0 =	simm.s32 @!p2 $0x0  }
0x16: {  	s3 =	sld [smem:$0x3FDB];
	s0 =	simm.s32 @p2 $0x1  }
0x17: {  	s4 =	simm.s32 $0x1BF5;
	[smem:$0x3FB7] =	sst s0  }
0x18: {  	s0 =	sld [smem:$0x3F9A];
	_ =	swait.ge [sflag:s4], $0x0  }
0x19: {  	s7 =	sld [smem:$0x3F9B]  }
0x1a: {  	s8 =	sadd.s32 $0xFFFFE003, lr  }
0x1b: {  	s9 =	sadd.s32 $0xFFFFFEF7, lr;
	s5 =	simm.s32 $0xFFFFFFFF;
	p2 =	slt.u32 s8, $0xFFFFF086  }
0x1c: {  	p1 =	slt.u32 s9, $0xF7A;
	s5 =	simm.s32 @!p2 $0x0  }
0x1d: {  	s5 =	simm.s32 @p1 $0x1;
	p0 =	seq.s32 s7, s2  }
0x1e: {  	s7 =	smul.u32 @!p0 $0xF7A, s2;
	p2 =	seq.s32 @!p0 s5, $0x0  }
0x1f: {  	s9 =	smul.u32 $0xF7A, s1;
	s8 =	simm.s32 @!p0 $0x1BF5;
	p2 =	por !p2, p0  }
0x20: {  	[sflag:s8] =	ssyncset.s32 @!p0 $0xFFFFF086;
	s6 =	sadd.s32 @!p0 s3, s7;
	s7 =	simm.s32 @!p0 $0x108  }
0x21: {  	s3 =	sadd.s32 s3, s9;
	s6 =	sadd.s32 @!p0 $0x88, s6;
	s7 =	simm.s32 @p2 $0x1082  }
0x22: {  	[simem:s7], [sflag:s8] =	dma.local @!p0 [hbm:s6], $0xF7A  }
0x23: {  	s9 =	sor.u32 $0xD0000000, s2;
	s6 =	simm.s32 $0x108;
	_ =	swait.ge @!p0 [sflag:s8], $0x0  }
0x24: {  	s3 =	sadd.s32 $0x88, s3;
	s6 =	simm.s32 @!p1 $0x1082;
	[sflag:s4] =	ssyncset.s32 $0xFFFFF086  }
0x25: {  	[simem:s6], [sflag:s4] =	dma.local [hbm:s3], $0xF7A  }
0x26: {  	[smem:$0x3F9B] =	sst s1;
	(tag) =	ssettag s2;
	_ =	strace s9  }
0x27: {  	s1 =	sld [smem:$0x3FAB]  }
0x28: {  	s2 =	sld [smem:$0x3FAC]  }
0x29: {  	s4 =	sld [smem:$0x3FAE]  }
0x2a: {  	p0 =	seq.s32 s5, $0x0;
	s5 =	sld [smem:$0x3FAF]  }
0x2b: {  	s6 =	sld [smem:$0x3FB0]  }
0x2c: {  	s7 =	sld [smem:$0x3FB1]  }
0x2d: {  	s3 =	simm.s32 $0x108;
	s8 =	sld [smem:$0x3FB2]  }
0x2e: {  	s3 =	simm.s32 @!p0 $0x1082;
	s9 =	sld [smem:$0x3FB3]  }
0x2f: {  	lr =	sadd.s32 s0, s3;
	s0 =	sld [smem:$0x3FAA]  }
0x30: {  	s3 =	sld [smem:$0x3FAD]  }
0x31: {  	[smem:$0x3FB6] =	sst s10  }
0x32: {  	s10 =	sld [smem:$0x3FB4];
	_ =	sdelay $0x3  }
0x33: {  	p0 =	seq.s32 s10, $0x1;
	s10 =	sld [smem:$0x3FB6];
	_ =	sdelay $0x3  }
0x34: {  	[smem:$0x3FB6] =	sst s10  }
0x35: {  	s10 =	sld [smem:$0x3FB5];
	_ =	sdelay $0x3  }
0x36: {  	p1 =	seq.s32 s10, $0x1;
	s10 =	sld [smem:$0x3FB6];
	_ =	sdelay $0x3  }
0x37: {  	[smem:$0x3FB6] =	sst s10  }
0x38: {  	s10 =	sld [smem:$0x3FB7]  }
0x39: {  	_ = 	snop;
	(pc) =	sbr.ind lr, $3  }
0x3a: {  	_ = 	snop  }
0x3b: {  	_ = 	snop  }
0x3c: {  	p2 =	seq.s32 s10, $0x1;
	s10 =	sld [smem:$0x3FB6]  }
0x3d: {  	_ =	shalt  }
0x3e: {  	_ =	shalt  }
0x3f: {  	_ =	shalt  }
0x40: {  	_ =	shalt  }
0x41: {  	_ =	shalt  }
0x42: {  	_ =	shalt  }
0x43: {  	_ =	shalt  }
0x44: {  	_ =	shalt  }
0x45: {  	_ =	shalt  }
0x46: {  	_ =	shalt  }
0x47: {  	_ =	shalt  }
0x48: {  	_ =	shalt  }
0x49: {  	_ =	shalt  }
0x4a: {  	_ =	shalt  }
0x4b: {  	_ =	shalt  }
0x4c: {  	_ =	shalt  }
0x4d: {  	_ =	shalt  }
0x4e: {  	_ =	shalt  }
0x4f: {  	_ =	shalt  }
0x50: {  	_ =	shalt  }
0x51: {  	_ =	shalt  }
0x52: {  	_ =	shalt  }
0x53: {  	_ =	shalt  }
0x54: {  	_ =	shalt  }
0x55: {  	_ =	shalt  }
0x56: {  	_ =	shalt  }
0x57: {  	_ =	shalt  }
0x58: {  	_ =	shalt  }
0x59: {  	_ =	shalt  }
0x5a: {  	_ =	shalt  }
0x5b: {  	_ =	shalt  }
0x5c: {  	_ =	shalt  }
0x5d: {  	_ =	shalt  }
0x5e: {  	_ =	shalt  }
0x5f: {  	_ =	shalt  }
0x60: {  	_ =	shalt  }
0x61: {  	_ =	shalt  }
0x62: {  	_ =	shalt  }
0x63: {  	_ =	shalt  }
0x64: {  	_ =	shalt  }
0x65: {  	_ =	shalt  }
0x66: {  	_ =	shalt  }
0x67: {  	_ =	shalt  }
0x68: {  	_ =	shalt  }
0x69: {  	_ =	shalt  }
0x6a: {  	_ =	shalt  }
0x6b: {  	_ =	shalt  }
0x6c: {  	_ =	shalt  }
0x6d: {  	_ =	shalt  }
0x6e: {  	_ =	shalt  }
0x6f: {  	_ =	shalt  }
0x70: {  	_ =	shalt  }
0x71: {  	_ =	shalt  }
0x72: {  	_ =	shalt  }
0x73: {  	_ =	shalt  }
0x74: {  	_ =	shalt  }
0x75: {  	_ =	shalt  }
0x76: {  	_ =	shalt  }
0x77: {  	_ =	shalt  }
0x78: {  	_ =	shalt  }
0x79: {  	_ =	shalt  }
0x7a: {  	_ =	shalt  }
0x7b: {  	_ =	shalt  }
0x7c: {  	_ =	shalt  }
0x7d: {  	_ =	shalt  }
0x7e: {  	_ =	shalt  }
0x7f: {  	_ =	shalt  }
0x80: {  	_ =	shalt  }
0x81: {  	_ =	shalt  }
0x82: {  	_ =	shalt  }
0x83: {  	_ =	shalt  }
0x84: {  	_ =	shalt  }
0x85: {  	_ =	shalt  }
0x86: {  	_ =	shalt  }
0x87: {  	_ =	shalt  }
.Lfunc_end0:
.L_simem_size_0:
called_computation.1_lowered:
.L_overlay_start_0:
0x88: {  	s2 =	sld [smem:$0x3FD9]  }
0x89: {  	s3 =	sld [smem:$0x3FFE];
	_ =	sdelay $0x1  }
0x8a: {  	s1 =	srdreg.scid  }
0x8b: {  	s0 =	sand.u32 $0x1, s1  }
0x8c: {  	s17 =	sshll.u32 s0, $0xA;
	s2 =	sadd.s32 s3, s2  }
0x8d: {  	s2 =	sadd.s32 s2, s17  }
0x8e: {  	[smem:$0x3FC2] =	sst s2  }
0x8f: {  	_ = 	snop  }
0x90: {  	s2 =	sld [smem:$0x3FC7]  }
0x91: {  	s18 =	sld [smem:$0x3FD0];
	(tm) =	ssettm $0x1  }
0x92: {  	s4 =	sld [smem:$0x3FFB];
	_ =	sdelay $0x3  }
0x93: {  	_ =	strace s4  }
0x94: {  	s4 =	sld [smem:$0x3FFC];
	_ =	sdelay $0x3  }
0x95: {  	_ =	strace s4  }
0x96: {  	s4 =	sld [smem:$0x3FFD];
	_ =	sdelay $0x3  }
0x97: {  	_ =	strace s4  }
0x98: {  	_ =	strace $0x8FFFFFFF  }
0x99: {  	s19 =	sld [smem:$0x3FDB];
	_ =	sdelay $0x1  }
0x9a: {  	s5 =	simm.s32 $_scs_section_size  }
0x9b: {  	s6 =	simm.s32 $_size__tile_overlayer_lowered;
	s7 =	simm.s32 $_tile_overlayer_lowered  }
0x9c: {  	s22 =	simm.s32 $0x1BFF;
	s21 =	sshll.u32 s7, $0x1;
	s4 =	sadd.s32 s5, s19  }
0x9d: {  	s8 =	simm.s32 $0x0;
	s20 =	sshll.u32 s6, $0x1;
	s6 =	sadd.s32 s21, s4  }
0x9e: {  	[timem:s8], [sflag:s22] =	dma.local [hbm:s6], s20  }
0x9f: {  	_ =	swait.ge [sflag:s22], s20  }
0xa0: {  	s5 =	ssub.s32 $0x0, s20;
	[sflag:s22] =	ssyncset.done $0x0  }
0xa1: {  	[sflag:s22] =	ssyncadd.s32 s5;
	_ =	sdelay $0x1  }
0xa2: {  	s23 =	simm.s32 $0x1B8B  }
0xa3: {  	_ =	swait.ge [sflag:s23], $0x1  }
0xa4: {  	[sflag:s23] =	ssyncset.done $0x0  }
0xa5: {  	s25 =	simm.s32 $0x1B8E;
	s24 =	sld [smem:$0x3FFE];
	[sflag:s23] =	ssyncadd.s32 $0xFFFFFFFF  }
0xa6: {  	s26 =	simm.s32 $execute0_lowered;
	[smem:$0x3FD2] =	sst s25  }
0xa7: {  	s6 =	sshll.u32 s26, $0x1;
	_ =	strace $0x80000049;
	[dreg:$0x1] =	wrdreg $0xFFFFFFFF  }
0xa8: {  	s28 =	simm.s32 $_size_execute0_lowered;
	s4 =	sadd.s32 s4, s6;
	[dreg:$0x0] =	wrdreg $0x0  }
0xa9: {  	s6 =	sshll.u32 s28, $0x1;
	[dreg:$0x2] =	wrdreg s4  }
0xaa: {  	[dreg:$0x3] =	wrdreg s6  }
0xab: {  	[dreg:$0x4] =	wrdreg $0xC0  }
0xac: {  	_ =	task [dreg:s8], $0x5FFFF  }
0xad: {  	[dreg:$0x1] =	wrdreg $0xFFFFFFFF  }
0xae: {  	[dreg:$0x0] =	wrdreg $0x60  }
0xaf: {  	[dreg:$0x2] =	wrdreg s24  }
0xb0: {  	[dreg:$0x3] =	wrdreg s18  }
0xb1: {  	[dreg:$0x4] =	wrdreg s2  }
0xb2: {  	[dreg:$0x5] =	wrdreg $0x8F000  }
0xb3: {  	[dreg:$0x6] =	wrdreg $0x9  }
0xb4: {  	_ =	task.clear_ibuf [dreg:s8], $0x7FFFF;
	_ =	strace $0x90000049  }
0xb5: {  	s29 =	simm.s32 $0x9;
	_ =	strace $0x8000004B  }
0xb6: {  	_ =	swait.ge [sflag:s29], $0x1  }
0xb7: {  	[sflag:s29] =	ssyncadd.s32 $0xFFFFFFFF  }
0xb8: {  	_ =	strace $0x9000004B  }
0xb9: {  	_ =	sfence  }
0xba: {  	s30 =	sld [smem:$0x0];
	_ =	sdelay $0x2  }
0xbb: {  	s31 =	sshll.u32 s1, $0xD;
	s1 =	sshrl.u32 s1, $0x2  }
0xbc: {  	s3 =	sand.u32 $0x4000, s31;
	s1 =	sadd.s32 s1, s30  }
0xbd: {  	s0 =	sor.u32 s3, s0;
	s1 =	sshll.u32 s1, $0x11  }
0xbe: {  	s0 =	sor.u32 s1, s0  }
0xbf: {  	s0 =	sadd.s32 $0x8F2B, s0  }
0xc0: {  	[sflag:s0] =	ssyncadd.remote.s32 $0x1  }
0xc1: {  	_ =	sfence.sel $0xFFFF  }
0xc2: {  	[dreg:$0x0] =	wrdreg $0xFFFFFFFF;
	(pc) =	sbr.abs _section_cstart, $3  }
0xc3: {  	[dreg:$0x1] =	wrdreg $0xFFFFFFFF  }
0xc4: {  	_ =	task.clear_ibuf [dreg:s8], $0x2FFFF;
	_ =	strace $0x9FFFFFFF  }
0xc5: {  	(tm) =	ssettm $0x7FFFFFFF  }
tec
execute0_lowered:
.L_overlay_start_1:
0x0: {  	(tag) =	ssettag $0x1  }
0x1: {  	s0 =	rddreg [dreg:$0x0]  }
0x2: {  	s1 =	rddreg [dreg:$0x1]  }
0x3: {  	s2 =	rddreg [dreg:$0x2]  }
0x4: {  	s3 =	rddreg [dreg:$0x3]  }
0x5: {  	s4 =	simm.s32 $0x0;
	s20 =	stileid.u32;
	s5 =	srdreg.scid  }
0x6: {  	s28 =	simm.s32 $0x280;
	s29 =	simm.s32 $0x1;
	s30 =	simm.s32 $0x2  }
0x7: {  	s31 =	simm.s32 $0x0;
	[smem:$0x7FF] =	sst s4;
	s9 =	smul.u32 $0x19000, s20  }
0x8: {  	s6 =	sadd.s32 $0x1400, s0;
	s13 =	sor.u32 $0x10, s20;
	s21 =	smul.u32 $0x6400, s20  }
0x9: {  	s7 =	sadd.s32 $0x148A00, s0;
	s14 =	sor.u32 $0x20, s20;
	s11 =	smul.u32 $0x19000, s13  }
0xa: {  	s8 =	sadd.s32 $0xB200, s0;
	s15 =	sor.u32 $0x30, s20;
	s12 =	smul.u32 $0x19000, s14  }
0xb: {  	s5 =	sand.u32 $0x1, s5;
	s10 =	sshll.u32 s20, $0x1;
	s17 =	smul.u32 $0x19000, s15  }
0xc: {  	s16 =	ssub.s32 $0x2, s5;
	s10 =	sor.u32 s5, s10;
	s5 =	smul.u32 $0x138800, s5  }
0xd: {  	s0 =	sadd.s32 $0xDA00, s0;
	p0 =	sgt.u32 s20, $0x1;
	s22 =	smul.u32 $0x6400, s13  }
0xe: {  	s20 =	simm.s32 $0x3;
	_ =	strace $0x8000004A;
	s14 =	smul.u32 $0x6400, s14  }
0xf: {  	s15 =	smul.u32 $0x6400, s15;
	s18 =	sshrl.u32 s16, $0x1;
	s19 =	sshrl.u32 s9, $0x2  }
0x10: {  	s9 =	smul.u32 $0x2710, s10;
	s16 =	ssub.s32 s16, s18;
	s10 =	sadd.s32 s19, s3  }
0x11: {  	s11 =	sshrl.u32 s11, $0x2;
	s12 =	sshrl.u32 s12, $0x2;
	s23 =	sshrl.u32 s17, $0x2  }
0x12: {  	s24 =	sadd.s32 s21, s5;
	s25 =	sadd.s32 s5, s22;
	s14 =	sadd.s32 s5, s14  }
0x13: {  	s5 =	sadd.s32 s5, s15;
	s19 =	simm.s32 $0x2B00;
	s21 =	simm.s32 $0x80  }
0x14: {  	s22 =	simm.s32 $0x100;
	s11 =	sadd.s32 s11, s3;
	s12 =	sadd.s32 s12, s3  }
0x15: {  	s13 =	sadd.s32 s23, s3;
	s17 =	sshrl.u32 s24, $0x3;
	s14 =	sshrl.u32 s14, $0x3  }
0x16: {  	s5 =	sshrl.u32 s5, $0x3;
	s18 =	smax.u32 s16, $0x1;
	s17 =	sadd.s32 s0, s17  }
0x17: {  	s14 =	sadd.s32 s0, s14;
	[dreg:$0x5] =	wrdreg s17;
	s17 =	sshrl.u32 s25, $0x3  }
0x18: {  	s23 =	simm.s32 $0x50;
	[dreg:$0x7] =	wrdreg s14;
	s26 =	sadd.s32 s0, s17  }
0x19: {  	s24 =	simm.s32 $0x180;
	s0 =	sadd.s32 s0, s5;
	[dreg:$0x6] =	wrdreg s26  }
0x1a: {  	v0 =	vimm.f32 $0.0e+00;
	s25 =	simm.s32 $0x300;
	[dreg:$0x8] =	wrdreg s0;
	s26 =	simm.s32 $0x200  }
.LBB2_1:
0x1b: {  	s0 =	simm.s32 $0x0;
	s5 =	simm.s32 $0x200  }
.LBB2_2:
0x1c: {  	p1 =	sne.s32 s5, $0x18E00;
	[tilespmem:s0+$0x2B70] =	vst v0  }
0x1d: {  	[tilespmem:s0+$0x2B00] =	vst v0  }
0x1e: {  	[tilespmem:s0+$0x2B10] =	vst v0  }
.Ltmp0:
0x1f: {  	[tilespmem:s0+$0x2B20] =	vst v0;
	(pc) =	sbr.rel @p1 .LBB2_2-.Ltmp0, $4  }
0x20: {  	[tilespmem:s0+$0x2B30] =	vst v0  }
0x21: {  	[tilespmem:s0+$0x2B40] =	vst v0  }
0x22: {  	[tilespmem:s0+$0x2B50] =	vst v0  }
0x23: {  	[tilespmem:s0+$0x2B60] =	vst v0;
	s0 =	sshra.s32 s5, $0x2;
	s5 =	sadd.s32 $0x200, s5  }
0x24: {  	[tilespmem:s0+$0x2B70] =	vst v0  }
0x25: {  	[tilespmem:s0+$0x2B00] =	vst v0  }
0x26: {  	[tilespmem:s0+$0x2B10] =	vst v0  }
0x27: {  	[tilespmem:s0+$0x2B20] =	vst v0  }
0x28: {  	[tilespmem:s0+$0x2B30] =	vst v0  }
0x29: {  	[tilespmem:s0+$0x2B40] =	vst v0  }
0x2a: {  	[tilespmem:s0+$0x2B50] =	vst v0  }
0x2b: {  	[tilespmem:s0+$0x2B60] =	vst v0  }
0x2c: {  	[spmem:s10] =	stream.linear.scatter [tilespmem:s19], [sflag:$0x3], $0x6400, $0x38;
	[tilespmem:$0x1C780] =	vst v63  }
0x2d: {  	_ =	swait.ge [sflag:s20], $0x6400  }
0x2e: {  	[sflag:s20] =	ssyncset.done $0x0  }
0x2f: {  	[sflag:s20] =	ssyncadd.s32 $0xFFFF9C00  }
0x30: {  	[spmem:s11] =	stream.linear.scatter [tilespmem:s19], [sflag:$0x3], $0x6400, $0x38;
	[tilespmem:$0x1C780] =	vst v63  }
0x31: {  	_ =	swait.ge [sflag:s20], $0x6400  }
0x32: {  	[sflag:s20] =	ssyncset.done $0x0  }
0x33: {  	[sflag:s20] =	ssyncadd.s32 $0xFFFF9C00  }
0x34: {  	[spmem:s12] =	stream.linear.scatter [tilespmem:s19], [sflag:$0x3], $0x6400, $0x38;
	[tilespmem:$0x1C780] =	vst v63  }
0x35: {  	_ =	swait.ge [sflag:s20], $0x6400  }
0x36: {  	[sflag:s20] =	ssyncset.done $0x0  }
0x37: {  	s0 =	simm.s32 @!p0 $0x2B00;
	[sflag:s20] =	ssyncadd.s32 $0xFFFF9C00  }
0x38: {  	[spmem:s13] =	stream.linear.scatter @!p0 [tilespmem:s0], [sflag:$0x3], $0x6400, $0x38;
	[tilespmem:$0x1C780] =	vst v63  }
0x39: {  	s0 =	simm.s32 @!p0 $0x3  }
0x3a: {  	_ =	swait.ge @!p0 [sflag:s0], $0x6400  }
0x3b: {  	[sflag:s0] =	ssyncset.done @!p0 $0x0  }
0x3c: {  	[sflag:s0] =	ssyncadd.s32 @!p0 $0xFFFF9C00  }
0x3d: {  	s5 =	simm.s32 $0x0;
	s0 =	simm.s32 $0x0;
	[bflag:$0x0] =	sbarrier.arrive $0xFFFF  }
.LBB2_4:
0x3e: {  	s14 =	smul.u32 $0x50, s5;
	_ =	sdelay $0x1  }
0x3f: {  	s14 =	sadd.s32 s9, s14  }
0x40: {  	s14 =	sshrl.u32 s14, $0x3  }
0x41: {  	s15 =	sadd.s32 s6, s14  }
0x42: {  	[tilespmem:s0], [sflag:$0x3] =	stream.linear.gather [hbm4b:s15+s0], $0x50, $0x38;
	[tilespmem:$0x1C780] =	vst v63  }
0x43: {  	_ =	swait.ge [sflag:s20], $0x50  }
0x44: {  	[sflag:s20] =	ssyncset.done $0x0  }
0x45: {  	s16 =	sadd.s32 s1, s14;
	[sflag:s20] =	ssyncadd.s32 $0xFFFFFFB0  }
0x46: {  	[tilespmem:s21], [sflag:$0x3] =	stream.linear.gather [hbm4b:s16+s0], $0x50, $0x38;
	[tilespmem:$0x1C780] =	vst v63  }
0x47: {  	_ =	swait.ge [sflag:s20], $0x50  }
0x48: {  	[sflag:s20] =	ssyncset.done $0x0  }
0x49: {  	s14 =	sadd.s32 s2, s14;
	[sflag:s20] =	ssyncadd.s32 $0xFFFFFFB0  }
0x4a: {  	[tilespmem:s22], [sflag:$0x3] =	stream.linear.gather [hbm4b:s14+s0], $0x50, $0x38;
	[tilespmem:$0x1C780] =	vst v63  }
0x4b: {  	_ =	swait.ge [sflag:s20], $0x50  }
0x4c: {  	[sflag:s20] =	ssyncset.done $0x0  }
0x4d: {  	[sflag:s20] =	ssyncadd.s32 $0xFFFFFFB0  }
0x4e: {  	v1 =	vld [tilespmem:$0x0]  }
0x4f: {  	v2 =	vld [tilespmem:$0x80]  }
0x50: {  	v3 =	vld [tilespmem:$0x100]  }
0x51: {  	v4 =	vld [tilespmem:$0x10]  }
0x52: {  	v5 =	vld [tilespmem:$0x90]  }
0x53: {  	v6 =	vld [tilespmem:$0x110]  }
0x54: {  	v7 =	vld [tilespmem:$0x20]  }
0x55: {  	v8 =	vld [tilespmem:$0xA0]  }
0x56: {  	v9 =	vld [tilespmem:$0x120]  }
0x57: {  	v10 =	vld [tilespmem:$0x30]  }
0x58: {  	v11 =	vld [tilespmem:$0xB0];
	v1 =	vshll.u32 v1, $0x3  }
0x59: {  	v12 =	vld [tilespmem:$0x130];
	v2 =	vshll.u32 v2, $0x3;
	v1 =	vadd.s32 v1, v3  }
0x5a: {  	[tilespmem:$0x180] =	vst v1;
	v1 =	vadd.s32 v3, v2;
	v2 =	vshll.u32 v4, $0x3;
	v3 =	vld [tilespmem:$0x40]  }
0x5b: {  	v4 =	vld [tilespmem:$0xC0];
	[tilespmem:$0x200] =	vst v1;
	v1 =	vadd.s32 v2, v6;
	v2 =	vshll.u32 v5, $0x3  }
0x5c: {  	v5 =	vld [tilespmem:$0x140];
	[tilespmem:$0x190] =	vst v1;
	v1 =	vadd.s32 v6, v2;
	v2 =	vshll.u32 v7, $0x3  }
0x5d: {  	[tilespmem:$0x210] =	vst v1;
	v1 =	vadd.s32 v2, v9;
	v2 =	vshll.u32 v8, $0x3  }
0x5e: {  	[tilespmem:$0x1A0] =	vst v1;
	v1 =	vadd.s32 v9, v2;
	v2 =	vshll.u32 v10, $0x3  }
0x5f: {  	[tilespmem:$0x220] =	vst v1;
	v1 =	vadd.s32 v2, v12;
	v2 =	vshll.u32 v11, $0x3  }
0x60: {  	[tilespmem:$0x1B0] =	vst v1;
	v1 =	vadd.s32 v12, v2;
	v2 =	vshll.u32 v3, $0x3  }
0x61: {  	[tilespmem:$0x230] =	vst v1;
	v1 =	vadd.s32 v2, v5;
	v2 =	vshll.u32 v4, $0x3  }
0x62: {  	[tilespmem:$0x1C0] =	vst v1;
	v1 =	vadd.s32 v5, v2  }
0x63: {  	[tilespmem:$0x240] =	vst v1  }
0x64: {  	[tilespmem:s25], [sflag:$0x1] =	stream.indirect.gather [hbm4b:s7+s23], $0x80, s24, s23, $0xb8;
	[tilespmem:$0x1C780] =	vst v63  }
0x65: {  	_ = 	snop  }
0x66: {  	[tilespmem:s28], [sflag:$0x2] =	stream.indirect.gather [hbm4b:s8+s23], $0x1, s26, s23, $0xb8;
	[tilespmem:$0x1C780] =	vst v63  }
0x67: {  	_ =	swait.ge [sflag:s29], $0x2800  }
0x68: {  	[sflag:s29] =	ssyncset.done $0x0  }
0x69: {  	[sflag:s29] =	ssyncadd.s32 $0xFFFFD800  }
0x6a: {  	_ =	swait.ge [sflag:s30], $0x50  }
0x6b: {  	[sflag:s30] =	ssyncset.done $0x0  }
0x6c: {  	s14 =	simm.s32 $0x340;
	[sflag:s30] =	ssyncadd.s32 $0xFFFFFFB0  }
0x6d: {  	v5 =	vld [tilespmem:s14+$0x30]  }
0x6e: {  	v8 =	vld [tilespmem:s14+$0x10]  }
0x6f: {  	s17 =	simm.s32 $0x0;
	v6 =	vld [tilespmem:s14+$0xFFFFFFC0]  }
0x70: {  	v2 =	vld.msk [tilespmem:s17+$0x280 ss:$0x0], $0xffff  }
0x71: {  	v10 =	vld [tilespmem:s14+$0xFFFFFFE0]  }
0x72: {  	v1 =	vld [tilespmem:s14+$0xFFFFFFF0]  }
0x73: {  	v3 =	vld [tilespmem:s14+$0x20]  }
0x74: {  	v4 =	vld [tilespmem:s14+$0xFFFFFFD0]  }
0x75: {  	v9 =	vmul.f32 v5, v2;
	v5 =	vld [tilespmem:s14+$0x0]  }
0x76: {  	v7 =	vmul.f32 v2, v6  }
0x77: {  	s15 =	simm.s32 $0x4;
	s16 =	simm.s32 $0x340;
	v6 =	vmul.f32 v10, v2;
	v8 =	vmul.f32 v8, v2  }
.LBB2_5:
0x78: {  	p1 =	sne.s32 s15, $0x13C  }
0x79: {  	v4 =	vmul.f32 v4, v2;
	v3 =	vmul.f32 v3, v2;
	[tilespmem:s14+$0x30] =	vst v9;
	s16 =	sadd.s32 $0x80, s16;
	s17 =	smov.u32 s15;
	s15 =	sadd.s32 $0x4, s15  }
0x7a: {  	[tilespmem:s14+$0xFFFFFFC0] =	vst v7;
	v7 =	vmul.f32 v1, v2;
	v2 =	vmul.f32 v5, v2  }
0x7b: {  	[tilespmem:s14+$0x10] =	vst v8  }
0x7c: {  	[tilespmem:s14+$0xFFFFFFE0] =	vst v6  }
0x7d: {  	v1 =	vld [tilespmem:s16+$0xFFFFFFF0];
	[tilespmem:s14+$0xFFFFFFF0] =	vst v7  }
0x7e: {  	v6 =	vld [tilespmem:s16+$0x30];
	[tilespmem:s14+$0x0] =	vst v2  }
0x7f: {  	v8 =	vld [tilespmem:s16+$0x10];
	[tilespmem:s14+$0x20] =	vst v3  }
0x80: {  	s17 =	sshra.s32 s17, $0x2;
	v7 =	vld [tilespmem:s16+$0xFFFFFFC0];
	[tilespmem:s14+$0xFFFFFFD0] =	vst v4;
	s14 =	smov.u32 s16  }
0x81: {  	v2 =	vld.msk [tilespmem:s17+$0x280 ss:$0x0], $0xffff  }
0x82: {  	v10 =	vld [tilespmem:s16+$0xFFFFFFE0]  }
0x83: {  	v3 =	vld [tilespmem:s16+$0x20]  }
.Ltmp1:
0x84: {  	v4 =	vld [tilespmem:s16+$0xFFFFFFD0];
	(pc) =	sbr.rel @p1 .LBB2_5-.Ltmp1, $3  }
0x85: {  	v5 =	vld [tilespmem:s16+$0x0];
	_ =	sdelay $0x1  }
0x86: {  	v7 =	vmul.f32 v2, v7;
	v9 =	vmul.f32 v6, v2  }
0x87: {  	v8 =	vmul.f32 v8, v2;
	v6 =	vmul.f32 v10, v2  }
0x88: {  	[tilespmem:s14+$0x30] =	vst v9  }
0x89: {  	[tilespmem:s14+$0xFFFFFFC0] =	vst v7  }
0x8a: {  	v1 =	vmul.f32 v1, v2;
	[tilespmem:s14+$0x10] =	vst v8  }
0x8b: {  	v3 =	vmul.f32 v3, v2;
	[tilespmem:s14+$0xFFFFFFE0] =	vst v6  }
0x8c: {  	v5 =	vmul.f32 v5, v2;
	[tilespmem:s14+$0xFFFFFFF0] =	vst v1  }
0x8d: {  	s5 =	sadd.s32 $0x1, s5;
	v1 =	vmul.f32 v4, v2;
	[tilespmem:s14+$0x20] =	vst v3  }
0x8e: {  	p1 =	sne.s32 s5, $0x7D;
	[tilespmem:s14+$0x0] =	vst v5  }
.Ltmp2:
0x8f: {  	[tilespmem:s14+$0xFFFFFFD0] =	vst v1;
	(pc) =	sbr.rel @p1 .LBB2_4-.Ltmp2, $4  }
0x90: {  	[spmem:s3] =	stream.indirect.scatter.add.f32 [tilespmem:s25], [sflag:$0x3], $0x80, s21, s23, $0xb8;
	[tilespmem:$0x1C780] =	vst v63  }
0x91: {  	_ =	swait.ge [sflag:s20], $0x2800  }
0x92: {  	[sflag:s20] =	ssyncset.done $0x0  }
0x93: {  	[sflag:s20] =	ssyncadd.s32 $0xFFFFD800  }
0x94: {  	[bflag:$0x0] =	sbarrier.arrive $0xFFFF  }
0x95: {  	[tilespmem:s19], [sflag:$0x3] =	stream.linear.gather [spmem:s10], $0x6400, $0x38;
	[tilespmem:$0x1C780] =	vst v63  }
0x96: {  	_ =	swait.ge [sflag:s20], $0x6400  }
0x97: {  	[sflag:s20] =	ssyncset.done $0x0  }
0x98: {  	s0 =	rddreg [dreg:$0x5];
	[sflag:s20] =	ssyncadd.s32 $0xFFFF9C00  }
0x99: {  	[hbm4b:s0+s4] =	stream.linear.scatter [tilespmem:s19], [sflag:$0x3], $0x6400, $0x38;
	[tilespmem:$0x1C780] =	vst v63  }
0x9a: {  	_ =	swait.ge [sflag:s20], $0x6400  }
0x9b: {  	[sflag:s20] =	ssyncset.done $0x0  }
0x9c: {  	[sflag:s20] =	ssyncadd.s32 $0xFFFF9C00  }
0x9d: {  	[tilespmem:s19], [sflag:$0x3] =	stream.linear.gather [spmem:s11], $0x6400, $0x38;
	[tilespmem:$0x1C780] =	vst v63  }
0x9e: {  	_ =	swait.ge [sflag:s20], $0x6400  }
0x9f: {  	[sflag:s20] =	ssyncset.done $0x0  }
0xa0: {  	s16 =	rddreg [dreg:$0x6];
	[sflag:s20] =	ssyncadd.s32 $0xFFFF9C00  }
0xa1: {  	[hbm4b:s16+s4] =	stream.linear.scatter [tilespmem:s19], [sflag:$0x3], $0x6400, $0x38;
	[tilespmem:$0x1C780] =	vst v63  }
0xa2: {  	_ =	swait.ge [sflag:s20], $0x6400  }
0xa3: {  	[sflag:s20] =	ssyncset.done $0x0  }
0xa4: {  	[sflag:s20] =	ssyncadd.s32 $0xFFFF9C00  }
0xa5: {  	[tilespmem:s19], [sflag:$0x3] =	stream.linear.gather [spmem:s12], $0x6400, $0x38;
	[tilespmem:$0x1C780] =	vst v63  }
0xa6: {  	_ =	swait.ge [sflag:s20], $0x6400  }
0xa7: {  	[sflag:s20] =	ssyncset.done $0x0  }
0xa8: {  	s17 =	rddreg [dreg:$0x7];
	[sflag:s20] =	ssyncadd.s32 $0xFFFF9C00  }
0xa9: {  	[hbm4b:s17+s4] =	stream.linear.scatter [tilespmem:s19], [sflag:$0x3], $0x6400, $0x38;
	[tilespmem:$0x1C780] =	vst v63  }
0xaa: {  	_ =	swait.ge [sflag:s20], $0x6400  }
0xab: {  	[sflag:s20] =	ssyncset.done $0x0  }
0xac: {  	s5 =	simm.s32 @!p0 $0x3;
	s0 =	simm.s32 @!p0 $0x2B00;
	[sflag:s20] =	ssyncadd.s32 $0xFFFF9C00  }
0xad: {  	[tilespmem:s0], [sflag:$0x3] =	stream.linear.gather @!p0 [spmem:s13], $0x6400, $0x38;
	[tilespmem:$0x1C780] =	vst v63  }
0xae: {  	s31 =	sadd.s32 $0x1, s31;
	_ =	swait.ge @!p0 [sflag:s5], $0x6400  }
0xaf: {  	s14 =	simm.s32 @!p0 $0x0;
	p1 =	sne.s32 s31, s18;
	[sflag:s5] =	ssyncset.done @!p0 $0x0  }
.Ltmp3:
0xb0: {  	s15 =	rddreg [dreg:$0x8];
	[sflag:s5] =	ssyncadd.s32 @!p0 $0xFFFF9C00;
	(pc) =	sbr.rel @p1 .LBB2_1-.Ltmp3, $4  }
0xb1: {  	[hbm4b:s15+s14] =	stream.linear.scatter @!p0 [tilespmem:s0], [sflag:$0x3], $0x6400, $0x38;
	[tilespmem:$0x1C780] =	vst v63  }
0xb2: {  	_ =	swait.ge @!p0 [sflag:s5], $0x6400  }
0xb3: {  	[sflag:s5] =	ssyncset.done @!p0 $0x0  }
0xb4: {  	[sflag:s5] =	ssyncadd.s32 @!p0 $0xFFFF9C00  }
0xb5: {  	_ =	sfence.sel $0x180000  }
0xb6: {  	[bflag:$0x0] =	sbarrier.arrive $0xFFFF  }
0xb7: {  	_ =	strace $0x9000004A  }
0xb8: {  	s0 =	stileid.u32;
	[bflag:$0x2] =	sbarrier.arrive $0xFFFF  }
0xb9: {  	p0 =	sne.s32 s0, $0x0;
	s0 =	rddreg [dreg:$0x4]  }
0xba: {  	s0 =	sadd.s32 @!p0 $0x100000, s0  }
0xbb: {  	[sflag:s0] =	ssyncadd.tile.s32 @!p0 $0x1;
	_ =	shalt  }
.Lfunc_end2:
_tile_overlayer_lowered:
.L_overlay_start_2:
0xbc: {  	(tag) =	ssettag $0x2  }
0xbd: {  	s0 =	rddreg [dreg:$0x0];
	s2 =	stileid.u32  }
0xbe: {  	s1 =	rddreg [dreg:$0x1];
	p0 =	sne.s32 s2, $0x0  }
0xbf: {  	s3 =	rddreg [dreg:$0x2];
	[bflag:$0x3] =	sbarrier.arrive $0xFFFF;
	s2 =	simm.s32 @!p0 $0x1C03  }
0xc0: {  	[timem:s3], [sflag:s2] =	dma.local @!p0 [hbm:s0], s1  }
0xc1: {  	s0 =	simm.s32 @!p0 $0x3  }
0xc2: {  	_ =	swait.ge @!p0 [sflag:s0], s1  }
0xc3: {  	s1 =	ssub.s32 @!p0 $0x0, s1;
	[sflag:s0] =	ssyncset.done @!p0 $0x0  }
0xc4: {  	[sflag:s0] =	ssyncadd.s32 @!p0 s1  }
0xc5: {  	[bflag:$0x3] =	sbarrier.arrive $0xFFFF  }
0xc6: {  	_ =	shalt  }

// kernel: kernel.7.cloned.1.call-start
scs
__scs_entry_jumppad:
0x0: {  	(pc) =	sbr.rel $0x88, $3  }
0x1: {  	(tag) =	ssettag $0x0;
	lr =	simm.s32 $0x1  }
0x2: {  	[smem:$0x3F9B] =	sst lr;
	_ =	strace $0xD0000000  }
0x3: {  	_ = 	snop  }
0x4: {  	_ = 	snop  }
0x5: {  	_ = 	snop  }
0x6: {  	_ = 	snop  }
0x7: {  	_ = 	snop  }
__scs_overlays_trampoline_lowered:
0x8: {  	[smem:$0x3FAA] =	sst s0  }
0x9: {  	[smem:$0x3FAB] =	sst s1  }
0xa: {  	[smem:$0x3FAC] =	sst s2  }
0xb: {  	[smem:$0x3FAD] =	sst s3  }
0xc: {  	[smem:$0x3FAE] =	sst s4  }
0xd: {  	[smem:$0x3FAF] =	sst s5  }
0xe: {  	[smem:$0x3FB0] =	sst s6  }
0xf: {  	[smem:$0x3FB1] =	sst s7  }
0x10: {  	[smem:$0x3FB2] =	sst s8  }
0x11: {  	[smem:$0x3FB3] =	sst s9;
	s0 =	simm.s32 @!p0 $0x0  }
0x12: {  	s1 =	sld [smem:$0x3F99];
	s0 =	simm.s32 @p0 $0x1  }
0x13: {  	[smem:$0x3FB4] =	sst s0;
	s0 =	simm.s32 @!p1 $0x0  }
0x14: {  	s2 =	sld [smem:$0x3F98];
	s0 =	simm.s32 @p1 $0x1  }
0x15: {  	[smem:$0x3FB5] =	sst s0;
	s0 =	simm.s32 @!p2 $0x0  }
0x16: {  	s3 =	sld [smem:$0x3FDB];
	s0 =	simm.s32 @p2 $0x1  }
0x17: {  	s4 =	simm.s32 $0x1BF5;
	[smem:$0x3FB7] =	sst s0  }
0x18: {  	s0 =	sld [smem:$0x3F9A];
	_ =	swait.ge [sflag:s4], $0x0  }
0x19: {  	s7 =	sld [smem:$0x3F9B]  }
0x1a: {  	s8 =	sadd.s32 $0xFFFFE003, lr  }
0x1b: {  	s9 =	sadd.s32 $0xFFFFFEF7, lr;
	s5 =	simm.s32 $0xFFFFFFFF;
	p2 =	slt.u32 s8, $0xFFFFF086  }
0x1c: {  	p1 =	slt.u32 s9, $0xF7A;
	s5 =	simm.s32 @!p2 $0x0  }
0x1d: {  	s5 =	simm.s32 @p1 $0x1;
	p0 =	seq.s32 s7, s2  }
0x1e: {  	s7 =	smul.u32 @!p0 $0xF7A, s2;
	p2 =	seq.s32 @!p0 s5, $0x0  }
0x1f: {  	s9 =	smul.u32 $0xF7A, s1;
	s8 =	simm.s32 @!p0 $0x1BF5;
	p2 =	por !p2, p0  }
0x20: {  	[sflag:s8] =	ssyncset.s32 @!p0 $0xFFFFF086;
	s6 =	sadd.s32 @!p0 s3, s7;
	s7 =	simm.s32 @!p0 $0x108  }
0x21: {  	s3 =	sadd.s32 s3, s9;
	s6 =	sadd.s32 @!p0 $0x88, s6;
	s7 =	simm.s32 @p2 $0x1082  }
0x22: {  	[simem:s7], [sflag:s8] =	dma.local @!p0 [hbm:s6], $0xF7A  }
0x23: {  	s9 =	sor.u32 $0xD0000000, s2;
	s6 =	simm.s32 $0x108;
	_ =	swait.ge @!p0 [sflag:s8], $0x0  }
0x24: {  	s3 =	sadd.s32 $0x88, s3;
	s6 =	simm.s32 @!p1 $0x1082;
	[sflag:s4] =	ssyncset.s32 $0xFFFFF086  }
0x25: {  	[simem:s6], [sflag:s4] =	dma.local [hbm:s3], $0xF7A  }
0x26: {  	[smem:$0x3F9B] =	sst s1;
	(tag) =	ssettag s2;
	_ =	strace s9  }
0x27: {  	s1 =	sld [smem:$0x3FAB]  }
0x28: {  	s2 =	sld [smem:$0x3FAC]  }
0x29: {  	s4 =	sld [smem:$0x3FAE]  }
0x2a: {  	p0 =	seq.s32 s5, $0x0;
	s5 =	sld [smem:$0x3FAF]  }
0x2b: {  	s6 =	sld [smem:$0x3FB0]  }
0x2c: {  	s7 =	sld [smem:$0x3FB1]  }
0x2d: {  	s3 =	simm.s32 $0x108;
	s8 =	sld [smem:$0x3FB2]  }
0x2e: {  	s3 =	simm.s32 @!p0 $0x1082;
	s9 =	sld [smem:$0x3FB3]  }
0x2f: {  	lr =	sadd.s32 s0, s3;
	s0 =	sld [smem:$0x3FAA]  }
0x30: {  	s3 =	sld [smem:$0x3FAD]  }
0x31: {  	[smem:$0x3FB6] =	sst s10  }
0x32: {  	s10 =	sld [smem:$0x3FB4];
	_ =	sdelay $0x3  }
0x33: {  	p0 =	seq.s32 s10, $0x1;
	s10 =	sld [smem:$0x3FB6];
	_ =	sdelay $0x3  }
0x34: {  	[smem:$0x3FB6] =	sst s10  }
0x35: {  	s10 =	sld [smem:$0x3FB5];
	_ =	sdelay $0x3  }
0x36: {  	p1 =	seq.s32 s10, $0x1;
	s10 =	sld [smem:$0x3FB6];
	_ =	sdelay $0x3  }
0x37: {  	[smem:$0x3FB6] =	sst s10  }
0x38: {  	s10 =	sld [smem:$0x3FB7]  }
0x39: {  	_ = 	snop;
	(pc) =	sbr.ind lr, $3  }
0x3a: {  	_ = 	snop  }
0x3b: {  	_ = 	snop  }
0x3c: {  	p2 =	seq.s32 s10, $0x1;
	s10 =	sld [smem:$0x3FB6]  }
0x3d: {  	_ =	shalt  }
0x3e: {  	_ =	shalt  }
0x3f: {  	_ =	shalt  }
0x40: {  	_ =	shalt  }
0x41: {  	_ =	shalt  }
0x42: {  	_ =	shalt  }
0x43: {  	_ =	shalt  }
0x44: {  	_ =	shalt  }
0x45: {  	_ =	shalt  }
0x46: {  	_ =	shalt  }
0x47: {  	_ =	shalt  }
0x48: {  	_ =	shalt  }
0x49: {  	_ =	shalt  }
0x4a: {  	_ =	shalt  }
0x4b: {  	_ =	shalt  }
0x4c: {  	_ =	shalt  }
0x4d: {  	_ =	shalt  }
0x4e: {  	_ =	shalt  }
0x4f: {  	_ =	shalt  }
0x50: {  	_ =	shalt  }
0x51: {  	_ =	shalt  }
0x52: {  	_ =	shalt  }
0x53: {  	_ =	shalt  }
0x54: {  	_ =	shalt  }
0x55: {  	_ =	shalt  }
0x56: {  	_ =	shalt  }
0x57: {  	_ =	shalt  }
0x58: {  	_ =	shalt  }
0x59: {  	_ =	shalt  }
0x5a: {  	_ =	shalt  }
0x5b: {  	_ =	shalt  }
0x5c: {  	_ =	shalt  }
0x5d: {  	_ =	shalt  }
0x5e: {  	_ =	shalt  }
0x5f: {  	_ =	shalt  }
0x60: {  	_ =	shalt  }
0x61: {  	_ =	shalt  }
0x62: {  	_ =	shalt  }
0x63: {  	_ =	shalt  }
0x64: {  	_ =	shalt  }
0x65: {  	_ =	shalt  }
0x66: {  	_ =	shalt  }
0x67: {  	_ =	shalt  }
0x68: {  	_ =	shalt  }
0x69: {  	_ =	shalt  }
0x6a: {  	_ =	shalt  }
0x6b: {  	_ =	shalt  }
0x6c: {  	_ =	shalt  }
0x6d: {  	_ =	shalt  }
0x6e: {  	_ =	shalt  }
0x6f: {  	_ =	shalt  }
0x70: {  	_ =	shalt  }
0x71: {  	_ =	shalt  }
0x72: {  	_ =	shalt  }
0x73: {  	_ =	shalt  }
0x74: {  	_ =	shalt  }
0x75: {  	_ =	shalt  }
0x76: {  	_ =	shalt  }
0x77: {  	_ =	shalt  }
0x78: {  	_ =	shalt  }
0x79: {  	_ =	shalt  }
0x7a: {  	_ =	shalt  }
0x7b: {  	_ =	shalt  }
0x7c: {  	_ =	shalt  }
0x7d: {  	_ =	shalt  }
0x7e: {  	_ =	shalt  }
0x7f: {  	_ =	shalt  }
0x80: {  	_ =	shalt  }
0x81: {  	_ =	shalt  }
0x82: {  	_ =	shalt  }
0x83: {  	_ =	shalt  }
0x84: {  	_ =	shalt  }
0x85: {  	_ =	shalt  }
0x86: {  	_ =	shalt  }
0x87: {  	_ =	shalt  }
.Lfunc_end0:
.L_simem_size_0:
called_computation_lowered:
.L_overlay_start_0:
0x88: {  	s2 =	sld [smem:$0x3FD9]  }
0x89: {  	s3 =	sld [smem:$0x3FFE];
	_ =	sdelay $0x1  }
0x8a: {  	s1 =	srdreg.scid  }
0x8b: {  	s0 =	sand.u32 $0x1, s1  }
0x8c: {  	s17 =	sshll.u32 s0, $0xA;
	s2 =	sadd.s32 s3, s2  }
0x8d: {  	s2 =	sadd.s32 s2, s17  }
0x8e: {  	[smem:$0x3FC2] =	sst s2  }
0x8f: {  	_ = 	snop  }
0x90: {  	s2 =	sld [smem:$0x3FC7]  }
0x91: {  	s18 =	sld [smem:$0x3FD0];
	(tm) =	ssettm $0x1  }
0x92: {  	s4 =	sld [smem:$0x3FFB];
	_ =	sdelay $0x3  }
0x93: {  	_ =	strace s4  }
0x94: {  	s4 =	sld [smem:$0x3FFC];
	_ =	sdelay $0x3  }
0x95: {  	_ =	strace s4  }
0x96: {  	s4 =	sld [smem:$0x3FFD];
	_ =	sdelay $0x3  }
0x97: {  	_ =	strace s4  }
0x98: {  	_ =	strace $0x8FFFFFFF  }
0x99: {  	s19 =	sld [smem:$0x3FDB];
	_ =	sdelay $0x1  }
0x9a: {  	s5 =	simm.s32 $_scs_section_size  }
0x9b: {  	s6 =	simm.s32 $_size__tile_overlayer_lowered;
	s7 =	simm.s32 $_tile_overlayer_lowered  }
0x9c: {  	s22 =	simm.s32 $0x1BFF;
	s21 =	sshll.u32 s7, $0x1;
	s4 =	sadd.s32 s5, s19  }
0x9d: {  	s8 =	simm.s32 $0x0;
	s20 =	sshll.u32 s6, $0x1;
	s6 =	sadd.s32 s21, s4  }
0x9e: {  	[timem:s8], [sflag:s22] =	dma.local [hbm:s6], s20  }
0x9f: {  	_ =	swait.ge [sflag:s22], s20  }
0xa0: {  	s5 =	ssub.s32 $0x0, s20;
	[sflag:s22] =	ssyncset.done $0x0  }
0xa1: {  	[sflag:s22] =	ssyncadd.s32 s5;
	_ =	sdelay $0x1  }
0xa2: {  	s23 =	simm.s32 $0x1B8B  }
0xa3: {  	_ =	swait.ge [sflag:s23], $0x1  }
0xa4: {  	[sflag:s23] =	ssyncset.done $0x0  }
0xa5: {  	s25 =	simm.s32 $0x1B8E;
	s24 =	sld [smem:$0x3FFE];
	[sflag:s23] =	ssyncadd.s32 $0xFFFFFFFF  }
0xa6: {  	s26 =	simm.s32 $execute0_lowered;
	[smem:$0x3FD2] =	sst s25  }
0xa7: {  	s6 =	sshll.u32 s26, $0x1;
	_ =	strace $0x80000046;
	[dreg:$0x1] =	wrdreg $0xFFFFFFFF  }
0xa8: {  	s28 =	simm.s32 $_size_execute0_lowered;
	s4 =	sadd.s32 s4, s6;
	[dreg:$0x0] =	wrdreg $0x0  }
0xa9: {  	s6 =	sshll.u32 s28, $0x1;
	[dreg:$0x2] =	wrdreg s4  }
0xaa: {  	[dreg:$0x3] =	wrdreg s6  }
0xab: {  	[dreg:$0x4] =	wrdreg $0xC0  }
0xac: {  	_ =	task [dreg:s8], $0x5FFFF  }
0xad: {  	[dreg:$0x1] =	wrdreg $0xFFFFFFFF  }
0xae: {  	[dreg:$0x0] =	wrdreg $0x60  }
0xaf: {  	[dreg:$0x2] =	wrdreg s18  }
0xb0: {  	[dreg:$0x3] =	wrdreg s2  }
0xb1: {  	[dreg:$0x4] =	wrdreg s24  }
0xb2: {  	[dreg:$0x5] =	wrdreg $0x16000  }
0xb3: {  	[dreg:$0x6] =	wrdreg $0x9  }
0xb4: {  	_ =	task.clear_ibuf [dreg:s8], $0x7FFFF;
	_ =	strace $0x90000046  }
0xb5: {  	s29 =	simm.s32 $0x9;
	_ =	strace $0x80000048  }
0xb6: {  	_ =	swait.ge [sflag:s29], $0x1  }
0xb7: {  	[sflag:s29] =	ssyncadd.s32 $0xFFFFFFFF  }
0xb8: {  	_ =	strace $0x90000048  }
0xb9: {  	_ =	sfence  }
0xba: {  	s30 =	sld [smem:$0x0];
	_ =	sdelay $0x2  }
0xbb: {  	s31 =	sshll.u32 s1, $0xD;
	s1 =	sshrl.u32 s1, $0x2  }
0xbc: {  	s3 =	sand.u32 $0x4000, s31;
	s1 =	sadd.s32 s1, s30  }
0xbd: {  	s0 =	sor.u32 s3, s0;
	s1 =	sshll.u32 s1, $0x11  }
0xbe: {  	s0 =	sor.u32 s1, s0  }
0xbf: {  	s0 =	sadd.s32 $0x8F2B, s0  }
0xc0: {  	[sflag:s0] =	ssyncadd.remote.s32 $0x1  }
0xc1: {  	_ =	sfence.sel $0xFFFF  }
0xc2: {  	[dreg:$0x0] =	wrdreg $0xFFFFFFFF;
	(pc) =	sbr.abs _section_cstart, $3  }
0xc3: {  	[dreg:$0x1] =	wrdreg $0xFFFFFFFF  }
0xc4: {  	_ =	task.clear_ibuf [dreg:s8], $0x2FFFF;
	_ =	strace $0x9FFFFFFF  }
0xc5: {  	(tm) =	ssettm $0x7FFFFFFF  }
tec
execute0_lowered:
.L_overlay_start_1:
0x0: {  	(tag) =	ssettag $0x1  }
0x1: {  	s8 =	rddreg [dreg:$0x0]  }
0x2: {  	s7 =	rddreg [dreg:$0x1];
	s1 =	srdreg.scid  }
0x3: {  	s0 =	stileid.u32;
	s4 =	rddreg [dreg:$0x2]  }
0x4: {  	s2 =	rddreg [dreg:$0x3];
	s3 =	simm.s32 $0x0;
	s6 =	smul.u32 $0x1388, s0  }
0x5: {  	s12 =	simm.s32 $0x50;
	s5 =	sand.u32 $0x1, s1;
	s10 =	smul.u32 $0x4E20, s0  }
0x6: {  	s13 =	simm.s32 $0x100;
	s14 =	simm.s32 $0x180;
	s9 =	smul.u32 $0x13880, s5  }
0x7: {  	[smem:$0x7FF] =	sst s3;
	s11 =	ssub.s32 $0x2, s5;
	s5 =	smul.u32 $0x2710, s5  }
0x8: {  	s15 =	simm.s32 $0x0;
	s1 =	rddreg [dreg:$0x4];
	_ =	strace $0x80000047  }
0x9: {  	s30 =	sshrl.u32 s11, $0x1;
	s9 =	sadd.s32 s6, s9;
	s10 =	sadd.s32 s5, s10  }
0xa: {  	s11 =	ssub.s32 s11, s30;
	s9 =	sshrl.u32 s9, $0x3;
	s31 =	sshrl.u32 s10, $0x3  }
0xb: {  	s10 =	simm.s32 $0x1;
	s9 =	sadd.s32 s9, s4;
	s4 =	sadd.s32 s6, s2  }
0xc: {  	s6 =	smax.u32 s11, $0x1;
	s7 =	sadd.s32 s31, s7;
	s8 =	sadd.s32 s31, s8  }
0xd: {  	v0 =	vimm.f32 $1.000000000e+00;
	v1 =	vimm.f32 $0.0e+00;
	s11 =	simm.s32 $0x80;
	s5 =	sadd.s32 $0xB200, s9;
	s9 =	simm.s32 $0x200  }
.LBB2_1:
0xe: {  	[tilespmem:$0x180] =	vst v0  }
0xf: {  	[tilespmem:$0x190] =	vst v0  }
0x10: {  	[tilespmem:$0x1A0] =	vst v0  }
0x11: {  	[tilespmem:$0x1B0] =	vst v0  }
0x12: {  	[tilespmem:$0x1C0] =	vst v0;
	s16 =	simm.s32 $0x40;
	s17 =	simm.s32 $0x0  }
.LBB2_2:
0x13: {  	p0 =	sne.s32 s16, $0x4DC0;
	[tilespmem:s17+$0x200] =	vst v1;
	s17 =	smov.u32 s16;
	s16 =	sadd.s32 $0x40, s16  }
.Ltmp0:
0x14: {  	(pc) =	sbr.rel @p0 .LBB2_2-.Ltmp0, $2  }
0x15: {  	_ =	sdelay $0x2  }
0x16: {  	s17 =	sshra.s32 s17, $0x2  }
0x17: {  	[tilespmem:s17+$0x200] =	vst v1  }
0x18: {  	[spmem:s4] =	stream.linear.scatter [tilespmem:s9], [sflag:$0x1], $0x1388, $0x38;
	[tilespmem:$0x2988] =	vst v63  }
0x19: {  	_ =	swait.ge [sflag:s10], $0x1388  }
0x1a: {  	[sflag:s10] =	ssyncset.done $0x0  }
0x1b: {  	[sflag:s10] =	ssyncadd.s32 $0xFFFFEC78  }
0x1c: {  	s16 =	sadd.s32 $0x0, s8;
	[bflag:$0x0] =	sbarrier.arrive $0xFFFF  }
0x1d: {  	[tilespmem:s3], [sflag:$0x1] =	stream.linear.gather [hbm4b:s16+s3], $0x50, $0x38;
	[tilespmem:$0x2988] =	vst v63  }
0x1e: {  	_ =	swait.ge [sflag:s10], $0x50  }
0x1f: {  	[sflag:s10] =	ssyncset.done $0x0  }
0x20: {  	s31 =	sadd.s32 $0x0, s7;
	[sflag:s10] =	ssyncadd.s32 $0xFFFFFFB0  }
0x21: {  	[tilespmem:s11], [sflag:$0x1] =	stream.linear.gather [hbm4b:s31+s3], $0x50, $0x38;
	[tilespmem:$0x2988] =	vst v63  }
0x22: {  	_ =	swait.ge [sflag:s10], $0x50  }
0x23: {  	[sflag:s10] =	ssyncset.done $0x0  }
0x24: {  	[sflag:s10] =	ssyncadd.s32 $0xFFFFFFB0  }
0x25: {  	v2 =	vld [tilespmem:$0xA0]  }
0x26: {  	v3 =	vld [tilespmem:$0xB0]  }
0x27: {  	v4 =	vld [tilespmem:$0x90]  }
0x28: {  	v6 =	vld [tilespmem:$0x10]  }
0x29: {  	v7 =	vld [tilespmem:$0x30]  }
0x2a: {  	s16 =	simm.s32 $0xA;
	v5 =	vld [tilespmem:$0x0]  }
.LBB2_4:
0x2b: {  	p0 =	sne.s32 s16, $0x4D8;
	v8 =	vld [tilespmem:$0x20];
	s17 =	smov.u32 s16;
	s16 =	sadd.s32 $0xA, s16  }
0x2c: {  	v9 =	vld [tilespmem:$0x80]  }
0x2d: {  	v10 =	vld [tilespmem:$0x40]  }
0x2e: {  	v6 =	vshll.u32 v6, $0x3;
	v7 =	vshll.u32 v7, $0x3;
	v11 =	vld [tilespmem:$0xC0]  }
0x2f: {  	v4 =	vadd.s32 v4, v6;
	v3 =	vadd.s32 v3, v7  }
0x30: {  	v5 =	vshll.u32 v5, $0x3;
	[tilespmem:$0x110] =	vst v4;
	v4 =	vshll.u32 v8, $0x3  }
0x31: {  	v5 =	vadd.s32 v9, v5;
	v2 =	vadd.s32 v2, v4;
	[tilespmem:$0x130] =	vst v3  }
0x32: {  	[tilespmem:$0x100] =	vst v5;
	v3 =	vshll.u32 v10, $0x3  }
0x33: {  	[tilespmem:$0x120] =	vst v2;
	v2 =	vadd.s32 v11, v3  }
0x34: {  	[tilespmem:$0x140] =	vst v2  }
0x35: {  	[spmem:s2] =	stream.indirect.scatter.add.f32 [tilespmem:s14], [sflag:$0x1], $0x1, s13, s12, $0xb8;
	[tilespmem:$0x2988] =	vst v63  }
0x36: {  	_ =	swait.ge [sflag:s10], $0x50  }
0x37: {  	[sflag:s10] =	ssyncset.done $0x0  }
0x38: {  	s18 =	sadd.s32 s17, s8;
	[sflag:s10] =	ssyncadd.s32 $0xFFFFFFB0  }
0x39: {  	[tilespmem:s3], [sflag:$0x1] =	stream.linear.gather [hbm4b:s18+s3], $0x50, $0x38;
	[tilespmem:$0x2988] =	vst v63  }
0x3a: {  	_ =	swait.ge [sflag:s10], $0x50  }
0x3b: {  	[sflag:s10] =	ssyncset.done $0x0  }
0x3c: {  	s17 =	sadd.s32 s17, s7;
	[sflag:s10] =	ssyncadd.s32 $0xFFFFFFB0  }
0x3d: {  	[tilespmem:s11], [sflag:$0x1] =	stream.linear.gather [hbm4b:s17+s3], $0x50, $0x38;
	[tilespmem:$0x2988] =	vst v63  }
0x3e: {  	_ =	swait.ge [sflag:s10], $0x50  }
0x3f: {  	[sflag:s10] =	ssyncset.done $0x0  }
0x40: {  	[sflag:s10] =	ssyncadd.s32 $0xFFFFFFB0  }
0x41: {  	v2 =	vld [tilespmem:$0xA0]  }
.Ltmp1:
0x42: {  	v3 =	vld [tilespmem:$0xB0];
	(pc) =	sbr.rel @p0 .LBB2_4-.Ltmp1, $4  }
0x43: {  	v4 =	vld [tilespmem:$0x90]  }
0x44: {  	v6 =	vld [tilespmem:$0x10]  }
0x45: {  	v7 =	vld [tilespmem:$0x30]  }
0x46: {  	v5 =	vld [tilespmem:$0x0]  }
0x47: {  	v8 =	vld [tilespmem:$0x20]  }
0x48: {  	v9 =	vld [tilespmem:$0x80]  }
0x49: {  	v10 =	vld [tilespmem:$0x40]  }
0x4a: {  	v11 =	vld [tilespmem:$0xC0];
	v6 =	vshll.u32 v6, $0x3  }
0x4b: {  	v7 =	vshll.u32 v7, $0x3;
	v4 =	vadd.s32 v4, v6  }
0x4c: {  	v3 =	vadd.s32 v3, v7;
	v5 =	vshll.u32 v5, $0x3;
	[tilespmem:$0x110] =	vst v4  }
0x4d: {  	v63 =	vshll.u32 v8, $0x3;
	v5 =	vadd.s32 v9, v5;
	[tilespmem:$0x130] =	vst v3  }
0x4e: {  	v3 =	vshll.u32 v10, $0x3;
	v2 =	vadd.s32 v2, v63;
	[tilespmem:$0x100] =	vst v5  }
0x4f: {  	[tilespmem:$0x120] =	vst v2;
	v2 =	vadd.s32 v11, v3  }
0x50: {  	[tilespmem:$0x140] =	vst v2  }
0x51: {  	[spmem:s2] =	stream.indirect.scatter.add.f32 [tilespmem:s14], [sflag:$0x1], $0x1, s13, s12, $0xb8;
	[tilespmem:$0x2988] =	vst v63  }
0x52: {  	_ =	swait.ge [sflag:s10], $0x50  }
0x53: {  	[sflag:s10] =	ssyncset.done $0x0  }
0x54: {  	[sflag:s10] =	ssyncadd.s32 $0xFFFFFFB0  }
0x55: {  	[bflag:$0x0] =	sbarrier.arrive $0xFFFF  }
0x56: {  	[tilespmem:s9], [sflag:$0x1] =	stream.linear.gather [spmem:s4], $0x1388, $0x38;
	[tilespmem:$0x2988] =	vst v63  }
0x57: {  	s15 =	sadd.s32 $0x1, s15;
	_ =	swait.ge [sflag:s10], $0x1388  }
0x58: {  	p0 =	sne.s32 s15, s6;
	[sflag:s10] =	ssyncset.done $0x0  }
.Ltmp2:
0x59: {  	[sflag:s10] =	ssyncadd.s32 $0xFFFFEC78;
	(pc) =	sbr.rel @p0 .LBB2_1-.Ltmp2, $4  }
0x5a: {  	[hbm4b:s5+s3] =	stream.linear.scatter [tilespmem:s9], [sflag:$0x1], $0x1388, $0x38;
	[tilespmem:$0x2988] =	vst v63  }
0x5b: {  	_ =	swait.ge [sflag:s10], $0x1388  }
0x5c: {  	[sflag:s10] =	ssyncset.done $0x0  }
0x5d: {  	[sflag:s10] =	ssyncadd.s32 $0xFFFFEC78  }
0x5e: {  	_ =	sfence.sel $0x180000  }
0x5f: {  	[bflag:$0x0] =	sbarrier.arrive $0xFFFF  }
0x60: {  	p0 =	sne.s32 s0, $0x0;
	_ =	strace $0x90000047  }
0x61: {  	s0 =	sadd.s32 @!p0 $0x100000, s1;
	[bflag:$0x2] =	sbarrier.arrive $0xFFFF  }
0x62: {  	[sflag:s0] =	ssyncadd.tile.s32 @!p0 $0x1;
	_ =	shalt  }
.Lfunc_end2:
_tile_overlayer_lowered:
.L_overlay_start_2:
0x63: {  	(tag) =	ssettag $0x2  }
0x64: {  	s0 =	rddreg [dreg:$0x0];
	s2 =	stileid.u32  }
0x65: {  	s1 =	rddreg [dreg:$0x1];
	p0 =	sne.s32 s2, $0x0  }
0x66: {  	s3 =	rddreg [dreg:$0x2];
	[bflag:$0x3] =	sbarrier.arrive $0xFFFF;
	s2 =	simm.s32 @!p0 $0x1C01  }
0x67: {  	[timem:s3], [sflag:s2] =	dma.local @!p0 [hbm:s0], s1  }
0x68: {  	s0 =	simm.s32 @!p0 $0x1  }
0x69: {  	_ =	swait.ge @!p0 [sflag:s0], s1  }
0x6a: {  	s1 =	ssub.s32 @!p0 $0x0, s1;
	[sflag:s0] =	ssyncset.done @!p0 $0x0  }
0x6b: {  	[sflag:s0] =	ssyncadd.s32 @!p0 s1  }
0x6c: {  	[bflag:$0x3] =	sbarrier.arrive $0xFFFF  }
0x6d: {  	_ =	shalt  }

</sc_bundles>
